<compile_context>
chip_gen: v7x
topology: tpu7x:2x2x1
jax: 0.10.2.dev20260603
libtpu: 0.0.44.dev20260713+nightly
codegen_flags: <defaults>
</compile_context>

<pallas_src>
import functools

import jax
import jax.numpy as jnp
from jax import lax
from jax.experimental import pallas as pl
from jax.experimental.pallas import tpu as pltpu
from jax.experimental.pallas import tpu_sc as plsc

N = 16384
D = 64
M = 1_000_000
NC = 2
NS = 16
L = 16
NW = NC * NS
R = 31264
R16 = R // L
TR = NW * R16
NB = N // L
BPW = N // NW
KB = BPW // L

_mesh = plsc.VectorSubcoreMesh(core_axis_name="c", subcore_axis_name="s")
_params = pltpu.CompilerParams(needs_layout_passes=False, use_tc_tiling_on_sc=False)


def _wid():
    return lax.axis_index("s") * NC + lax.axis_index("c")


@functools.partial(
    pl.kernel,
    out_type=jax.ShapeDtypeStruct((TR, L), jnp.int32),
    mesh=_mesh,
    scratch_types=[
        pltpu.VMEM((NB, L), jnp.int32),
        pltpu.VMEM((R16, L), jnp.int32),
    ],
    compiler_params=_params,
)
def _winner(idx2_hbm, t_hbm, idx_v, t_v):
    wid = _wid()
    base = wid * R
    pltpu.sync_copy(idx2_hbm, idx_v)

    lanes = lax.iota(jnp.int32, L)
    U = 8

    def body(k8, carry):
        k0 = k8 * U
        es = [idx_v[k0 + u, :] for u in range(U)]
        for u in range(U):
            local = es[u] - base
            mask = plsc.bitcast(local, jnp.uint32) < jnp.uint32(R)
            jv = (k0 + u) * L + lanes
            plsc.store_scatter(t_v, [local >> 4, local & 15], jv, mask=mask)
        return carry

    lax.fori_loop(0, NB // U, body, 0)
    pltpu.sync_copy(t_v, t_hbm.at[pl.ds(wid * R16, R16)])


@functools.partial(
    pl.kernel,
    out_type=jax.ShapeDtypeStruct((N, D), jnp.float32),
    mesh=_mesh,
    scratch_types=[
        pltpu.VMEM((BPW,), jnp.int32),
        pltpu.VMEM((BPW,), jnp.int32),
        pltpu.VMEM((BPW, L), jnp.int32),
        pltpu.VMEM((BPW,), jnp.int32),
        pltpu.VMEM((BPW, D), jnp.float32),
        pltpu.SemaphoreType.DMA,
        pltpu.SemaphoreType.DMA,
    ],
    compiler_params=_params,
)
def _route(idx_hbm, t_hbm, val_hbm, out_hbm,
           idxb_v, trow_v, trows_v, w_v, rows_v, sem1, sem2):
    wid = _wid()
    base = wid * BPW
    pltpu.sync_copy(idx_hbm.at[pl.ds(base, BPW)], idxb_v)

    def rows_body(k, carry):
        trow_v[pl.ds(k * L, L)] = idxb_v[pl.ds(k * L, L)] >> 4
        return carry

    lax.fori_loop(0, KB, rows_body, 0, unroll=8)
    pltpu.async_copy(t_hbm.at[trow_v], trows_v, sem1).wait()

    lanes = lax.iota(jnp.int32, L)

    def extract_body(k, carry):
        col = idxb_v[pl.ds(k * L, L)] & 15
        wv = plsc.load_gather(trows_v, [k * L + lanes, col])
        w_v[pl.ds(k * L, L)] = wv
        return carry

    lax.fori_loop(0, KB, extract_body, 0, unroll=8)
    pltpu.async_copy(val_hbm.at[w_v], rows_v, sem2).wait()
    pltpu.sync_copy(rows_v, out_hbm.at[pl.ds(base, BPW)])


def kernel(lift_fresh_copy_1, index_put_1, view):
    del index_put_1
    idx = lift_fresh_copy_1.astype(jnp.int32)
    t = _winner(idx.reshape(NB, L))
    return _route(idx, t, view)

# --- scband reference (transcript-rebuilt; emitter-appended) ---
"""Pipeline reference for scband-repro-11879879541573 (READ-ONLY COPY).

The authoritative reference and input builder live on the scoring server;
editing this copy changes nothing except your own understanding.
"""

import jax, jax.numpy as jnp
import numpy as np

def setup_inputs(seed: int = 0) -> dict:
    key = jax.random.key(seed)
    k1, k2, k3 = jax.random.split(key, 3)
    lift_fresh_copy_1 = jax.random.randint(k1, (16384,), 0, 1000000, dtype=jnp.int64 if jax.config.read('jax_enable_x64') else jnp.int32)
    index_put_1 = jax.random.normal(k2, (1000000, 64), dtype=jnp.float32)
    view = jax.random.normal(k3, (16384, 64), dtype=jnp.float32)
    return {"lift_fresh_copy_1": lift_fresh_copy_1, "index_put_1": index_put_1, "view": view}

def reference(lift_fresh_copy_1, index_put_1, view):
    # aten.index_put(mem, [idx], val): scatter-overwrite rows of mem at idx with val
    index_put_2 = index_put_1.at[lift_fresh_copy_1].set(view)
    # aten.index(mem, [idx]): gather the same rows back
    index_5 = index_put_2[lift_fresh_copy_1]
    return index_5

if __name__ == "__main__":
    import jax
    _d = setup_inputs()
    print(jax.jit(kernel)(*tuple(_d.values())))

</pallas_src>

<mosaic_0001>
#map = affine_map<(d0, d1) -> (0, 0)>
module attributes {stable_mosaic.version = 14 : i64} {
  func.func @_winner(%arg0: i32, %arg1: i32, %arg2: memref<1024x16xi32, #tpu.memory_space<hbm>>, %arg3: memref<62528x16xi32, #tpu.memory_space<hbm>>, %arg4: memref<1024x16xi32, #tpu.memory_space<vmem>>, %arg5: memref<1954x16xi32, #tpu.memory_space<vmem>>) attributes {dimension_semantics = [#tpu.dimension_semantics<core_parallel>, #tpu.dimension_semantics<subcore_parallel>], iteration_bounds = array<i64: 2, 16>, scalar_prefetch = 0 : i64, scratch_operands = 2 : i64, tpu.core_type = #tpu.core_type<sc_vector_subcore>, window_params = [{transform_indices = #map}, {transform_indices = #map}]} {
    %mul3A = arith.constant 2 : i32
    %mul3A_0 = arith.muli %arg1, %mul3A : i32
    %add3A = arith.addi %mul3A_0, %arg0 : i32
    %mul3A_1 = arith.constant 31264 : i32
    %mul3A_2 = arith.muli %add3A, %mul3A_1 : i32
    "tpu.region"() ({
      %run_scoped3A = tpu.sem_alloc : memref<!tpu.dma_semaphore, #tpu.memory_space<semaphore_mem>>
      tpu.enqueue_dma source(%arg2 : memref<1024x16xi32, #tpu.memory_space<hbm>>) target(%arg4 : memref<1024x16xi32, #tpu.memory_space<vmem>>) target_semaphore(%run_scoped3A : memref<!tpu.dma_semaphore, #tpu.memory_space<semaphore_mem>>)
      tpu.wait_dma2 semaphore(%run_scoped3A : memref<!tpu.dma_semaphore, #tpu.memory_space<semaphore_mem>>) src(%arg2 : memref<1024x16xi32, #tpu.memory_space<hbm>>) dst(%arg4 : memref<1024x16xi32, #tpu.memory_space<vmem>>)
      tpu.yield
    }) : () -> ()
    %iota3A = tpu.iota {dimensions = array<i32: 0>} : vector<16xi32>
    %scan3A = arith.constant 0 : i32
    %scan3A_3 = arith.constant 0 : i32
    %scan3A_4 = arith.constant 128 : i32
    %scan3A_5 = arith.addi %scan3A_3, %scan3A_4 : i32
    %scan3A_6 = arith.constant 1 : i32
    scf.for %scan3A_10 = %scan3A_3 to %scan3A_5 step %scan3A_6  : i32 {
      %mul3A_11 = arith.constant 8 : i32
      %mul3A_12 = arith.muli %scan3A_10, %mul3A_11 : i32
      %add3A_13 = arith.constant 0 : i32
      %add3A_14 = arith.addi %mul3A_12, %add3A_13 : i32
      %get3A = arith.index_cast %add3A_14 : i32 to index
      %get3A_15 = arith.constant 0 : index
      %get3A_16 = tpu.vector_load %arg4[%get3A, %get3A_15] {strides = array<i32>} : memref<1024x16xi32, #tpu.memory_space<vmem>>, vector<16xi32>,
      %add3A_17 = arith.constant 1 : i32
      %add3A_18 = arith.addi %mul3A_12, %add3A_17 : i32
      %get3A_19 = arith.index_cast %add3A_18 : i32 to index
      %get3A_20 = arith.constant 0 : index
      %get3A_21 = tpu.vector_load %arg4[%get3A_19, %get3A_20] {strides = array<i32>} : memref<1024x16xi32, #tpu.memory_space<vmem>>, vector<16xi32>,
      %add3A_22 = arith.constant 2 : i32
      %add3A_23 = arith.addi %mul3A_12, %add3A_22 : i32
      %get3A_24 = arith.index_cast %add3A_23 : i32 to index
      %get3A_25 = arith.constant 0 : index
      %get3A_26 = tpu.vector_load %arg4[%get3A_24, %get3A_25] {strides = array<i32>} : memref<1024x16xi32, #tpu.memory_space<vmem>>, vector<16xi32>,
      %add3A_27 = arith.constant 3 : i32
      %add3A_28 = arith.addi %mul3A_12, %add3A_27 : i32
      %get3A_29 = arith.index_cast %add3A_28 : i32 to index
      %get3A_30 = arith.constant 0 : index
      %get3A_31 = tpu.vector_load %arg4[%get3A_29, %get3A_30] {strides = array<i32>} : memref<1024x16xi32, #tpu.memory_space<vmem>>, vector<16xi32>,
      %add3A_32 = arith.constant 4 : i32
      %add3A_33 = arith.addi %mul3A_12, %add3A_32 : i32
      %get3A_34 = arith.index_cast %add3A_33 : i32 to index
      %get3A_35 = arith.constant 0 : index
      %get3A_36 = tpu.vector_load %arg4[%get3A_34, %get3A_35] {strides = array<i32>} : memref<1024x16xi32, #tpu.memory_space<vmem>>, vector<16xi32>,
      %add3A_37 = arith.constant 5 : i32
      %add3A_38 = arith.addi %mul3A_12, %add3A_37 : i32
      %get3A_39 = arith.index_cast %add3A_38 : i32 to index
      %get3A_40 = arith.constant 0 : index
      %get3A_41 = tpu.vector_load %arg4[%get3A_39, %get3A_40] {strides = array<i32>} : memref<1024x16xi32, #tpu.memory_space<vmem>>, vector<16xi32>,
      %add3A_42 = arith.constant 6 : i32
      %add3A_43 = arith.addi %mul3A_12, %add3A_42 : i32
      %get3A_44 = arith.index_cast %add3A_43 : i32 to index
      %get3A_45 = arith.constant 0 : index
      %get3A_46 = tpu.vector_load %arg4[%get3A_44, %get3A_45] {strides = array<i32>} : memref<1024x16xi32, #tpu.memory_space<vmem>>, vector<16xi32>,
      %add3A_47 = arith.constant 7 : i32
      %add3A_48 = arith.addi %mul3A_12, %add3A_47 : i32
      %get3A_49 = arith.index_cast %add3A_48 : i32 to index
      %get3A_50 = arith.constant 0 : index
      %get3A_51 = tpu.vector_load %arg4[%get3A_49, %get3A_50] {strides = array<i32>} : memref<1024x16xi32, #tpu.memory_space<vmem>>, vector<16xi32>,
      %sub3A = vector.broadcast %mul3A_2 : i32 to vector<16xi32>
      %sub3A_52 = arith.subi %get3A_16, %sub3A : vector<16xi32>
      %bitcast3A = vector.bitcast %sub3A_52 : vector<16xi32> to vector<16xi32>
      %lt3A = arith.constant 31264 : i32
      %lt3A_53 = vector.broadcast %lt3A : i32 to vector<16xi32>
      %lt3A_54 = arith.cmpi ult, %bitcast3A, %lt3A_53 : vector<16xi32>
      %add3A_55 = arith.constant 0 : i32
      %add3A_56 = arith.addi %mul3A_12, %add3A_55 : i32
      %mul3A_57 = arith.constant 16 : i32
      %mul3A_58 = arith.muli %add3A_56, %mul3A_57 : i32
      %add3A_59 = vector.broadcast %mul3A_58 : i32 to vector<16xi32>
      %add3A_60 = arith.addi %add3A_59, %iota3A : vector<16xi32>
      %shift_right_arithmetic3A = arith.constant 4 : i32
      %shift_right_arithmetic3A_61 = vector.broadcast %shift_right_arithmetic3A : i32 to vector<16xi32>
      %shift_right_arithmetic3A_62 = arith.shrsi %sub3A_52, %shift_right_arithmetic3A_61 : vector<16xi32>
      %and3A = arith.constant 15 : i32
      %and3A_63 = vector.broadcast %and3A : i32 to vector<16xi32>
      %and3A_64 = arith.andi %sub3A_52, %and3A_63 : vector<16xi32>
      tpu.vector_store_idx %arg5[%shift_right_arithmetic3A_62, %and3A_64], %add3A_60 masked %lt3A_54 : memref<1954x16xi32, #tpu.memory_space<vmem>>[vector<16xi32>, vector<16xi32>], vector<16xi32>, vector<16xi1>
      %sub3A_65 = vector.broadcast %mul3A_2 : i32 to vector<16xi32>
      %sub3A_66 = arith.subi %get3A_21, %sub3A_65 : vector<16xi32>
      %bitcast3A_67 = vector.bitcast %sub3A_66 : vector<16xi32> to vector<16xi32>
      %lt3A_68 = arith.constant 31264 : i32
      %lt3A_69 = vector.broadcast %lt3A_68 : i32 to vector<16xi32>
      %lt3A_70 = arith.cmpi ult, %bitcast3A_67, %lt3A_69 : vector<16xi32>
      %add3A_71 = arith.constant 1 : i32
      %add3A_72 = arith.addi %mul3A_12, %add3A_71 : i32
      %mul3A_73 = arith.constant 16 : i32
      %mul3A_74 = arith.muli %add3A_72, %mul3A_73 : i32
      %add3A_75 = vector.broadcast %mul3A_74 : i32 to vector<16xi32>
      %add3A_76 = arith.addi %add3A_75, %iota3A : vector<16xi32>
      %shift_right_arithmetic3A_77 = arith.constant 4 : i32
      %shift_right_arithmetic3A_78 = vector.broadcast %shift_right_arithmetic3A_77 : i32 to vector<16xi32>
      %shift_right_arithmetic3A_79 = arith.shrsi %sub3A_66, %shift_right_arithmetic3A_78 : vector<16xi32>
      %and3A_80 = arith.constant 15 : i32
      %and3A_81 = vector.broadcast %and3A_80 : i32 to vector<16xi32>
      %and3A_82 = arith.andi %sub3A_66, %and3A_81 : vector<16xi32>
      tpu.vector_store_idx %arg5[%shift_right_arithmetic3A_79, %and3A_82], %add3A_76 masked %lt3A_70 : memref<1954x16xi32, #tpu.memory_space<vmem>>[vector<16xi32>, vector<16xi32>], vector<16xi32>, vector<16xi1>
      %sub3A_83 = vector.broadcast %mul3A_2 : i32 to vector<16xi32>
      %sub3A_84 = arith.subi %get3A_26, %sub3A_83 : vector<16xi32>
      %bitcast3A_85 = vector.bitcast %sub3A_84 : vector<16xi32> to vector<16xi32>
      %lt3A_86 = arith.constant 31264 : i32
      %lt3A_87 = vector.broadcast %lt3A_86 : i32 to vector<16xi32>
      %lt3A_88 = arith.cmpi ult, %bitcast3A_85, %lt3A_87 : vector<16xi32>
      %add3A_89 = arith.constant 2 : i32
      %add3A_90 = arith.addi %mul3A_12, %add3A_89 : i32
      %mul3A_91 = arith.constant 16 : i32
      %mul3A_92 = arith.muli %add3A_90, %mul3A_91 : i32
      %add3A_93 = vector.broadcast %mul3A_92 : i32 to vector<16xi32>
      %add3A_94 = arith.addi %add3A_93, %iota3A : vector<16xi32>
      %shift_right_arithmetic3A_95 = arith.constant 4 : i32
      %shift_right_arithmetic3A_96 = vector.broadcast %shift_right_arithmetic3A_95 : i32 to vector<16xi32>
      %shift_right_arithmetic3A_97 = arith.shrsi %sub3A_84, %shift_right_arithmetic3A_96 : vector<16xi32>
      %and3A_98 = arith.constant 15 : i32
      %and3A_99 = vector.broadcast %and3A_98 : i32 to vector<16xi32>
      %and3A_100 = arith.andi %sub3A_84, %and3A_99 : vector<16xi32>
      tpu.vector_store_idx %arg5[%shift_right_arithmetic3A_97, %and3A_100], %add3A_94 masked %lt3A_88 : memref<1954x16xi32, #tpu.memory_space<vmem>>[vector<16xi32>, vector<16xi32>], vector<16xi32>, vector<16xi1>
      %sub3A_101 = vector.broadcast %mul3A_2 : i32 to vector<16xi32>
      %sub3A_102 = arith.subi %get3A_31, %sub3A_101 : vector<16xi32>
      %bitcast3A_103 = vector.bitcast %sub3A_102 : vector<16xi32> to vector<16xi32>
      %lt3A_104 = arith.constant 31264 : i32
      %lt3A_105 = vector.broadcast %lt3A_104 : i32 to vector<16xi32>
      %lt3A_106 = arith.cmpi ult, %bitcast3A_103, %lt3A_105 : vector<16xi32>
      %add3A_107 = arith.constant 3 : i32
      %add3A_108 = arith.addi %mul3A_12, %add3A_107 : i32
      %mul3A_109 = arith.constant 16 : i32
      %mul3A_110 = arith.muli %add3A_108, %mul3A_109 : i32
      %add3A_111 = vector.broadcast %mul3A_110 : i32 to vector<16xi32>
      %add3A_112 = arith.addi %add3A_111, %iota3A : vector<16xi32>
      %shift_right_arithmetic3A_113 = arith.constant 4 : i32
      %shift_right_arithmetic3A_114 = vector.broadcast %shift_right_arithmetic3A_113 : i32 to vector<16xi32>
      %shift_right_arithmetic3A_115 = arith.shrsi %sub3A_102, %shift_right_arithmetic3A_114 : vector<16xi32>
      %and3A_116 = arith.constant 15 : i32
      %and3A_117 = vector.broadcast %and3A_116 : i32 to vector<16xi32>
      %and3A_118 = arith.andi %sub3A_102, %and3A_117 : vector<16xi32>
      tpu.vector_store_idx %arg5[%shift_right_arithmetic3A_115, %and3A_118], %add3A_112 masked %lt3A_106 : memref<1954x16xi32, #tpu.memory_space<vmem>>[vector<16xi32>, vector<16xi32>], vector<16xi32>, vector<16xi1>
      %sub3A_119 = vector.broadcast %mul3A_2 : i32 to vector<16xi32>
      %sub3A_120 = arith.subi %get3A_36, %sub3A_119 : vector<16xi32>
      %bitcast3A_121 = vector.bitcast %sub3A_120 : vector<16xi32> to vector<16xi32>
      %lt3A_122 = arith.constant 31264 : i32
      %lt3A_123 = vector.broadcast %lt3A_122 : i32 to vector<16xi32>
      %lt3A_124 = arith.cmpi ult, %bitcast3A_121, %lt3A_123 : vector<16xi32>
      %add3A_125 = arith.constant 4 : i32
      %add3A_126 = arith.addi %mul3A_12, %add3A_125 : i32
      %mul3A_127 = arith.constant 16 : i32
      %mul3A_128 = arith.muli %add3A_126, %mul3A_127 : i32
      %add3A_129 = vector.broadcast %mul3A_128 : i32 to vector<16xi32>
      %add3A_130 = arith.addi %add3A_129, %iota3A : vector<16xi32>
      %shift_right_arithmetic3A_131 = arith.constant 4 : i32
      %shift_right_arithmetic3A_132 = vector.broadcast %shift_right_arithmetic3A_131 : i32 to vector<16xi32>
      %shift_right_arithmetic3A_133 = arith.shrsi %sub3A_120, %shift_right_arithmetic3A_132 : vector<16xi32>
      %and3A_134 = arith.constant 15 : i32
      %and3A_135 = vector.broadcast %and3A_134 : i32 to vector<16xi32>
      %and3A_136 = arith.andi %sub3A_120, %and3A_135 : vector<16xi32>
      tpu.vector_store_idx %arg5[%shift_right_arithmetic3A_133, %and3A_136], %add3A_130 masked %lt3A_124 : memref<1954x16xi32, #tpu.memory_space<vmem>>[vector<16xi32>, vector<16xi32>], vector<16xi32>, vector<16xi1>
      %sub3A_137 = vector.broadcast %mul3A_2 : i32 to vector<16xi32>
      %sub3A_138 = arith.subi %get3A_41, %sub3A_137 : vector<16xi32>
      %bitcast3A_139 = vector.bitcast %sub3A_138 : vector<16xi32> to vector<16xi32>
      %lt3A_140 = arith.constant 31264 : i32
      %lt3A_141 = vector.broadcast %lt3A_140 : i32 to vector<16xi32>
      %lt3A_142 = arith.cmpi ult, %bitcast3A_139, %lt3A_141 : vector<16xi32>
      %add3A_143 = arith.constant 5 : i32
      %add3A_144 = arith.addi %mul3A_12, %add3A_143 : i32
      %mul3A_145 = arith.constant 16 : i32
      %mul3A_146 = arith.muli %add3A_144, %mul3A_145 : i32
      %add3A_147 = vector.broadcast %mul3A_146 : i32 to vector<16xi32>
      %add3A_148 = arith.addi %add3A_147, %iota3A : vector<16xi32>
      %shift_right_arithmetic3A_149 = arith.constant 4 : i32
      %shift_right_arithmetic3A_150 = vector.broadcast %shift_right_arithmetic3A_149 : i32 to vector<16xi32>
      %shift_right_arithmetic3A_151 = arith.shrsi %sub3A_138, %shift_right_arithmetic3A_150 : vector<16xi32>
      %and3A_152 = arith.constant 15 : i32
      %and3A_153 = vector.broadcast %and3A_152 : i32 to vector<16xi32>
      %and3A_154 = arith.andi %sub3A_138, %and3A_153 : vector<16xi32>
      tpu.vector_store_idx %arg5[%shift_right_arithmetic3A_151, %and3A_154], %add3A_148 masked %lt3A_142 : memref<1954x16xi32, #tpu.memory_space<vmem>>[vector<16xi32>, vector<16xi32>], vector<16xi32>, vector<16xi1>
      %sub3A_155 = vector.broadcast %mul3A_2 : i32 to vector<16xi32>
      %sub3A_156 = arith.subi %get3A_46, %sub3A_155 : vector<16xi32>
      %bitcast3A_157 = vector.bitcast %sub3A_156 : vector<16xi32> to vector<16xi32>
      %lt3A_158 = arith.constant 31264 : i32
      %lt3A_159 = vector.broadcast %lt3A_158 : i32 to vector<16xi32>
      %lt3A_160 = arith.cmpi ult, %bitcast3A_157, %lt3A_159 : vector<16xi32>
      %add3A_161 = arith.constant 6 : i32
      %add3A_162 = arith.addi %mul3A_12, %add3A_161 : i32
      %mul3A_163 = arith.constant 16 : i32
      %mul3A_164 = arith.muli %add3A_162, %mul3A_163 : i32
      %add3A_165 = vector.broadcast %mul3A_164 : i32 to vector<16xi32>
      %add3A_166 = arith.addi %add3A_165, %iota3A : vector<16xi32>
      %shift_right_arithmetic3A_167 = arith.constant 4 : i32
      %shift_right_arithmetic3A_168 = vector.broadcast %shift_right_arithmetic3A_167 : i32 to vector<16xi32>
      %shift_right_arithmetic3A_169 = arith.shrsi %sub3A_156, %shift_right_arithmetic3A_168 : vector<16xi32>
      %and3A_170 = arith.constant 15 : i32
      %and3A_171 = vector.broadcast %and3A_170 : i32 to vector<16xi32>
      %and3A_172 = arith.andi %sub3A_156, %and3A_171 : vector<16xi32>
      tpu.vector_store_idx %arg5[%shift_right_arithmetic3A_169, %and3A_172], %add3A_166 masked %lt3A_160 : memref<1954x16xi32, #tpu.memory_space<vmem>>[vector<16xi32>, vector<16xi32>], vector<16xi32>, vector<16xi1>
      %sub3A_173 = vector.broadcast %mul3A_2 : i32 to vector<16xi32>
      %sub3A_174 = arith.subi %get3A_51, %sub3A_173 : vector<16xi32>
      %bitcast3A_175 = vector.bitcast %sub3A_174 : vector<16xi32> to vector<16xi32>
      %lt3A_176 = arith.constant 31264 : i32
      %lt3A_177 = vector.broadcast %lt3A_176 : i32 to vector<16xi32>
      %lt3A_178 = arith.cmpi ult, %bitcast3A_175, %lt3A_177 : vector<16xi32>
      %add3A_179 = arith.constant 7 : i32
      %add3A_180 = arith.addi %mul3A_12, %add3A_179 : i32
      %mul3A_181 = arith.constant 16 : i32
      %mul3A_182 = arith.muli %add3A_180, %mul3A_181 : i32
      %add3A_183 = vector.broadcast %mul3A_182 : i32 to vector<16xi32>
      %add3A_184 = arith.addi %add3A_183, %iota3A : vector<16xi32>
      %shift_right_arithmetic3A_185 = arith.constant 4 : i32
      %shift_right_arithmetic3A_186 = vector.broadcast %shift_right_arithmetic3A_185 : i32 to vector<16xi32>
      %shift_right_arithmetic3A_187 = arith.shrsi %sub3A_174, %shift_right_arithmetic3A_186 : vector<16xi32>
      %and3A_188 = arith.constant 15 : i32
      %and3A_189 = vector.broadcast %and3A_188 : i32 to vector<16xi32>
      %and3A_190 = arith.andi %sub3A_174, %and3A_189 : vector<16xi32>
      tpu.vector_store_idx %arg5[%shift_right_arithmetic3A_187, %and3A_190], %add3A_184 masked %lt3A_178 : memref<1954x16xi32, #tpu.memory_space<vmem>>[vector<16xi32>, vector<16xi32>], vector<16xi32>, vector<16xi1>
    }
    %scan3A_7 = arith.constant 128 : i32
    %mul3A_8 = arith.constant 1954 : i32
    %mul3A_9 = arith.muli %add3A, %mul3A_8 : i32
    "tpu.region"() ({
      %run_scoped3A = tpu.sem_alloc : memref<!tpu.dma_semaphore, #tpu.memory_space<semaphore_mem>>
      %dma_start3A = arith.constant 0 : i32
      %dma_start3A_10 = tpu.memref_slice %arg3[%mul3A_9, %dma_start3A] : memref<62528x16xi32, #tpu.memory_space<hbm>> -> memref<1954x16xi32, #tpu.memory_space<hbm>>
      %dma_start3A_11 = arith.constant 0 : i32
      %dma_start3A_12 = tpu.memref_slice %arg3[%mul3A_9, %dma_start3A_11] : memref<62528x16xi32, #tpu.memory_space<hbm>> -> memref<1954x16xi32, #tpu.memory_space<hbm>>
      tpu.enqueue_dma source(%arg5 : memref<1954x16xi32, #tpu.memory_space<vmem>>) target(%dma_start3A_12 : memref<1954x16xi32, #tpu.memory_space<hbm>>) target_semaphore(%run_scoped3A : memref<!tpu.dma_semaphore, #tpu.memory_space<semaphore_mem>>)
      %dma_wait3A = arith.constant 0 : i32
      %dma_wait3A_13 = tpu.memref_slice %arg3[%mul3A_9, %dma_wait3A] : memref<62528x16xi32, #tpu.memory_space<hbm>> -> memref<1954x16xi32, #tpu.memory_space<hbm>>
      %dma_wait3A_14 = arith.constant 0 : i32
      %dma_wait3A_15 = tpu.memref_slice %arg3[%mul3A_9, %dma_wait3A_14] : memref<62528x16xi32, #tpu.memory_space<hbm>> -> memref<1954x16xi32, #tpu.memory_space<hbm>>
      tpu.wait_dma2 semaphore(%run_scoped3A : memref<!tpu.dma_semaphore, #tpu.memory_space<semaphore_mem>>) src(%arg5 : memref<1954x16xi32, #tpu.memory_space<vmem>>) dst(%dma_wait3A_15 : memref<1954x16xi32, #tpu.memory_space<hbm>>)
      tpu.yield
    }) : () -> ()
    return
  }
}

#map = affine_map<(d0, d1) -> (0)>
#map1 = affine_map<(d0, d1) -> (0, 0)>
module attributes {stable_mosaic.version = 14 : i64} {
  func.func @_route(%arg0: i32, %arg1: i32, %arg2: memref<16384xi32, #tpu.memory_space<hbm>>, %arg3: memref<62528x16xi32, #tpu.memory_space<hbm>>, %arg4: memref<16384x64xf32, #tpu.memory_space<hbm>>, %arg5: memref<16384x64xf32, #tpu.memory_space<hbm>>, %arg6: memref<512xi32, #tpu.memory_space<vmem>>, %arg7: memref<512xi32, #tpu.memory_space<vmem>>, %arg8: memref<512x16xi32, #tpu.memory_space<vmem>>, %arg9: memref<512xi32, #tpu.memory_space<vmem>>, %arg10: memref<512x64xf32, #tpu.memory_space<vmem>>, %arg11: memref<!tpu.dma_semaphore, #tpu.memory_space<semaphore_mem>>, %arg12: memref<!tpu.dma_semaphore, #tpu.memory_space<semaphore_mem>>) attributes {dimension_semantics = [#tpu.dimension_semantics<core_parallel>, #tpu.dimension_semantics<subcore_parallel>], iteration_bounds = array<i64: 2, 16>, scalar_prefetch = 0 : i64, scratch_operands = 7 : i64, tpu.core_type = #tpu.core_type<sc_vector_subcore>, window_params = [{transform_indices = #map}, {transform_indices = #map1}, {transform_indices = #map1}, {transform_indices = #map1}]} {
    %mul3A = arith.constant 2 : i32
    %mul3A_0 = arith.muli %arg1, %mul3A : i32
    %add3A = arith.addi %mul3A_0, %arg0 : i32
    %mul3A_1 = arith.constant 512 : i32
    %mul3A_2 = arith.muli %add3A, %mul3A_1 : i32
    "tpu.region"() ({
      %run_scoped3A = tpu.sem_alloc : memref<!tpu.dma_semaphore, #tpu.memory_space<semaphore_mem>>
      %dma_start3A_24 = tpu.memref_slice %arg2[%mul3A_2] : memref<16384xi32, #tpu.memory_space<hbm>> -> memref<512xi32, #tpu.memory_space<hbm>>
      %dma_start3A_25 = tpu.memref_slice %arg2[%mul3A_2] : memref<16384xi32, #tpu.memory_space<hbm>> -> memref<512xi32, #tpu.memory_space<hbm>>
      tpu.enqueue_dma source(%dma_start3A_25 : memref<512xi32, #tpu.memory_space<hbm>>) target(%arg6 : memref<512xi32, #tpu.memory_space<vmem>>) target_semaphore(%run_scoped3A : memref<!tpu.dma_semaphore, #tpu.memory_space<semaphore_mem>>)
      %dma_wait3A_26 = tpu.memref_slice %arg2[%mul3A_2] : memref<16384xi32, #tpu.memory_space<hbm>> -> memref<512xi32, #tpu.memory_space<hbm>>
      %dma_wait3A_27 = tpu.memref_slice %arg2[%mul3A_2] : memref<16384xi32, #tpu.memory_space<hbm>> -> memref<512xi32, #tpu.memory_space<hbm>>
      tpu.wait_dma2 semaphore(%run_scoped3A : memref<!tpu.dma_semaphore, #tpu.memory_space<semaphore_mem>>) src(%dma_wait3A_27 : memref<512xi32, #tpu.memory_space<hbm>>) dst(%arg6 : memref<512xi32, #tpu.memory_space<vmem>>)
      tpu.yield
    }) : () -> ()
    %scan3A = arith.constant 0 : i32
    %scan3A_3 = arith.constant 0 : i32
    %scan3A_4 = arith.constant 32 : i32
    %scan3A_5 = arith.addi %scan3A_3, %scan3A_4 : i32
    %scan3A_6 = arith.constant 8 : i32
    scf.for %scan3A_24 = %scan3A_3 to %scan3A_5 step %scan3A_6  : i32 {
      %mul3A_25 = arith.constant 16 : i32
      %mul3A_26 = arith.muli %scan3A_24, %mul3A_25 : i32
      %get3A = arith.index_cast %mul3A_26 : i32 to index
      %get3A_27 = tpu.vector_load %arg6[%get3A] {strides = array<i32>} : memref<512xi32, #tpu.memory_space<vmem>>, vector<16xi32>,
      %shift_right_arithmetic3A = arith.constant 4 : i32
      %shift_right_arithmetic3A_28 = vector.broadcast %shift_right_arithmetic3A : i32 to vector<16xi32>
      %shift_right_arithmetic3A_29 = arith.shrsi %get3A_27, %shift_right_arithmetic3A_28 : vector<16xi32>
      %mul3A_30 = arith.constant 16 : i32
      %mul3A_31 = arith.muli %scan3A_24, %mul3A_30 : i32
      %swap3A = arith.index_cast %mul3A_31 : i32 to index
      %swap3A_32 = tpu.vector_load %arg7[%swap3A] {strides = array<i32>} : memref<512xi32, #tpu.memory_space<vmem>>, vector<16xi32>,
      tpu.vector_store %arg7[%swap3A], %shift_right_arithmetic3A_29 {strides = array<i32>} : memref<512xi32, #tpu.memory_space<vmem>>, vector<16xi32>,
      %scan3A_33 = arith.constant 1 : i32
      %scan3A_34 = arith.addi %scan3A_24, %scan3A_33 : i32
      %mul3A_35 = arith.constant 16 : i32
      %mul3A_36 = arith.muli %scan3A_34, %mul3A_35 : i32
      %get3A_37 = arith.index_cast %mul3A_36 : i32 to index
      %get3A_38 = tpu.vector_load %arg6[%get3A_37] {strides = array<i32>} : memref<512xi32, #tpu.memory_space<vmem>>, vector<16xi32>,
      %shift_right_arithmetic3A_39 = arith.constant 4 : i32
      %shift_right_arithmetic3A_40 = vector.broadcast %shift_right_arithmetic3A_39 : i32 to vector<16xi32>
      %shift_right_arithmetic3A_41 = arith.shrsi %get3A_38, %shift_right_arithmetic3A_40 : vector<16xi32>
      %mul3A_42 = arith.constant 16 : i32
      %mul3A_43 = arith.muli %scan3A_34, %mul3A_42 : i32
      %swap3A_44 = arith.index_cast %mul3A_43 : i32 to index
      %swap3A_45 = tpu.vector_load %arg7[%swap3A_44] {strides = array<i32>} : memref<512xi32, #tpu.memory_space<vmem>>, vector<16xi32>,
      tpu.vector_store %arg7[%swap3A_44], %shift_right_arithmetic3A_41 {strides = array<i32>} : memref<512xi32, #tpu.memory_space<vmem>>, vector<16xi32>,
      %scan3A_46 = arith.constant 2 : i32
      %scan3A_47 = arith.addi %scan3A_24, %scan3A_46 : i32
      %mul3A_48 = arith.constant 16 : i32
      %mul3A_49 = arith.muli %scan3A_47, %mul3A_48 : i32
      %get3A_50 = arith.index_cast %mul3A_49 : i32 to index
      %get3A_51 = tpu.vector_load %arg6[%get3A_50] {strides = array<i32>} : memref<512xi32, #tpu.memory_space<vmem>>, vector<16xi32>,
      %shift_right_arithmetic3A_52 = arith.constant 4 : i32
      %shift_right_arithmetic3A_53 = vector.broadcast %shift_right_arithmetic3A_52 : i32 to vector<16xi32>
      %shift_right_arithmetic3A_54 = arith.shrsi %get3A_51, %shift_right_arithmetic3A_53 : vector<16xi32>
      %mul3A_55 = arith.constant 16 : i32
      %mul3A_56 = arith.muli %scan3A_47, %mul3A_55 : i32
      %swap3A_57 = arith.index_cast %mul3A_56 : i32 to index
      %swap3A_58 = tpu.vector_load %arg7[%swap3A_57] {strides = array<i32>} : memref<512xi32, #tpu.memory_space<vmem>>, vector<16xi32>,
      tpu.vector_store %arg7[%swap3A_57], %shift_right_arithmetic3A_54 {strides = array<i32>} : memref<512xi32, #tpu.memory_space<vmem>>, vector<16xi32>,
      %scan3A_59 = arith.constant 3 : i32
      %scan3A_60 = arith.addi %scan3A_24, %scan3A_59 : i32
      %mul3A_61 = arith.constant 16 : i32
      %mul3A_62 = arith.muli %scan3A_60, %mul3A_61 : i32
      %get3A_63 = arith.index_cast %mul3A_62 : i32 to index
      %get3A_64 = tpu.vector_load %arg6[%get3A_63] {strides = array<i32>} : memref<512xi32, #tpu.memory_space<vmem>>, vector<16xi32>,
      %shift_right_arithmetic3A_65 = arith.constant 4 : i32
      %shift_right_arithmetic3A_66 = vector.broadcast %shift_right_arithmetic3A_65 : i32 to vector<16xi32>
      %shift_right_arithmetic3A_67 = arith.shrsi %get3A_64, %shift_right_arithmetic3A_66 : vector<16xi32>
      %mul3A_68 = arith.constant 16 : i32
      %mul3A_69 = arith.muli %scan3A_60, %mul3A_68 : i32
      %swap3A_70 = arith.index_cast %mul3A_69 : i32 to index
      %swap3A_71 = tpu.vector_load %arg7[%swap3A_70] {strides = array<i32>} : memref<512xi32, #tpu.memory_space<vmem>>, vector<16xi32>,
      tpu.vector_store %arg7[%swap3A_70], %shift_right_arithmetic3A_67 {strides = array<i32>} : memref<512xi32, #tpu.memory_space<vmem>>, vector<16xi32>,
      %scan3A_72 = arith.constant 4 : i32
      %scan3A_73 = arith.addi %scan3A_24, %scan3A_72 : i32
      %mul3A_74 = arith.constant 16 : i32
      %mul3A_75 = arith.muli %scan3A_73, %mul3A_74 : i32
      %get3A_76 = arith.index_cast %mul3A_75 : i32 to index
      %get3A_77 = tpu.vector_load %arg6[%get3A_76] {strides = array<i32>} : memref<512xi32, #tpu.memory_space<vmem>>, vector<16xi32>,
      %shift_right_arithmetic3A_78 = arith.constant 4 : i32
      %shift_right_arithmetic3A_79 = vector.broadcast %shift_right_arithmetic3A_78 : i32 to vector<16xi32>
      %shift_right_arithmetic3A_80 = arith.shrsi %get3A_77, %shift_right_arithmetic3A_79 : vector<16xi32>
      %mul3A_81 = arith.constant 16 : i32
      %mul3A_82 = arith.muli %scan3A_73, %mul3A_81 : i32
      %swap3A_83 = arith.index_cast %mul3A_82 : i32 to index
      %swap3A_84 = tpu.vector_load %arg7[%swap3A_83] {strides = array<i32>} : memref<512xi32, #tpu.memory_space<vmem>>, vector<16xi32>,
      tpu.vector_store %arg7[%swap3A_83], %shift_right_arithmetic3A_80 {strides = array<i32>} : memref<512xi32, #tpu.memory_space<vmem>>, vector<16xi32>,
      %scan3A_85 = arith.constant 5 : i32
      %scan3A_86 = arith.addi %scan3A_24, %scan3A_85 : i32
      %mul3A_87 = arith.constant 16 : i32
      %mul3A_88 = arith.muli %scan3A_86, %mul3A_87 : i32
      %get3A_89 = arith.index_cast %mul3A_88 : i32 to index
      %get3A_90 = tpu.vector_load %arg6[%get3A_89] {strides = array<i32>} : memref<512xi32, #tpu.memory_space<vmem>>, vector<16xi32>,
      %shift_right_arithmetic3A_91 = arith.constant 4 : i32
      %shift_right_arithmetic3A_92 = vector.broadcast %shift_right_arithmetic3A_91 : i32 to vector<16xi32>
      %shift_right_arithmetic3A_93 = arith.shrsi %get3A_90, %shift_right_arithmetic3A_92 : vector<16xi32>
      %mul3A_94 = arith.constant 16 : i32
      %mul3A_95 = arith.muli %scan3A_86, %mul3A_94 : i32
      %swap3A_96 = arith.index_cast %mul3A_95 : i32 to index
      %swap3A_97 = tpu.vector_load %arg7[%swap3A_96] {strides = array<i32>} : memref<512xi32, #tpu.memory_space<vmem>>, vector<16xi32>,
      tpu.vector_store %arg7[%swap3A_96], %shift_right_arithmetic3A_93 {strides = array<i32>} : memref<512xi32, #tpu.memory_space<vmem>>, vector<16xi32>,
      %scan3A_98 = arith.constant 6 : i32
      %scan3A_99 = arith.addi %scan3A_24, %scan3A_98 : i32
      %mul3A_100 = arith.constant 16 : i32
      %mul3A_101 = arith.muli %scan3A_99, %mul3A_100 : i32
      %get3A_102 = arith.index_cast %mul3A_101 : i32 to index
      %get3A_103 = tpu.vector_load %arg6[%get3A_102] {strides = array<i32>} : memref<512xi32, #tpu.memory_space<vmem>>, vector<16xi32>,
      %shift_right_arithmetic3A_104 = arith.constant 4 : i32
      %shift_right_arithmetic3A_105 = vector.broadcast %shift_right_arithmetic3A_104 : i32 to vector<16xi32>
      %shift_right_arithmetic3A_106 = arith.shrsi %get3A_103, %shift_right_arithmetic3A_105 : vector<16xi32>
      %mul3A_107 = arith.constant 16 : i32
      %mul3A_108 = arith.muli %scan3A_99, %mul3A_107 : i32
      %swap3A_109 = arith.index_cast %mul3A_108 : i32 to index
      %swap3A_110 = tpu.vector_load %arg7[%swap3A_109] {strides = array<i32>} : memref<512xi32, #tpu.memory_space<vmem>>, vector<16xi32>,
      tpu.vector_store %arg7[%swap3A_109], %shift_right_arithmetic3A_106 {strides = array<i32>} : memref<512xi32, #tpu.memory_space<vmem>>, vector<16xi32>,
      %scan3A_111 = arith.constant 7 : i32
      %scan3A_112 = arith.addi %scan3A_24, %scan3A_111 : i32
      %mul3A_113 = arith.constant 16 : i32
      %mul3A_114 = arith.muli %scan3A_112, %mul3A_113 : i32
      %get3A_115 = arith.index_cast %mul3A_114 : i32 to index
      %get3A_116 = tpu.vector_load %arg6[%get3A_115] {strides = array<i32>} : memref<512xi32, #tpu.memory_space<vmem>>, vector<16xi32>,
      %shift_right_arithmetic3A_117 = arith.constant 4 : i32
      %shift_right_arithmetic3A_118 = vector.broadcast %shift_right_arithmetic3A_117 : i32 to vector<16xi32>
      %shift_right_arithmetic3A_119 = arith.shrsi %get3A_116, %shift_right_arithmetic3A_118 : vector<16xi32>
      %mul3A_120 = arith.constant 16 : i32
      %mul3A_121 = arith.muli %scan3A_112, %mul3A_120 : i32
      %swap3A_122 = arith.index_cast %mul3A_121 : i32 to index
      %swap3A_123 = tpu.vector_load %arg7[%swap3A_122] {strides = array<i32>} : memref<512xi32, #tpu.memory_space<vmem>>, vector<16xi32>,
      tpu.vector_store %arg7[%swap3A_122], %shift_right_arithmetic3A_119 {strides = array<i32>} : memref<512xi32, #tpu.memory_space<vmem>>, vector<16xi32>,
    }
    %scan3A_7 = arith.constant 32 : i32
    %dma_start3A = arith.constant 0 : i32
    %dma_start3A_8 = arith.constant 0 : i32
    %dma_start3A_9 = tpu.memref_slice %arg3[%dma_start3A, %dma_start3A_8] : memref<62528x16xi32, #tpu.memory_space<hbm>> -> memref<62528x16xi32, #tpu.memory_space<hbm>>
    tpu.enqueue_indirect_dma source(%dma_start3A_9 : memref<62528x16xi32, #tpu.memory_space<hbm>>) target(%arg8 : memref<512x16xi32, #tpu.memory_space<vmem>>) offsets(%arg7 : memref<512xi32, #tpu.memory_space<vmem>>) semaphore(%arg11 : memref<!tpu.dma_semaphore, #tpu.memory_space<semaphore_mem>>)
    %dma_wait3A = arith.constant 0 : i32
    %dma_wait3A_10 = arith.constant 0 : i32
    %dma_wait3A_11 = tpu.memref_slice %arg3[%dma_wait3A, %dma_wait3A_10] : memref<62528x16xi32, #tpu.memory_space<hbm>> -> memref<62528x16xi32, #tpu.memory_space<hbm>>
    tpu.wait_indirect_dma semaphore(%arg11 : memref<!tpu.dma_semaphore, #tpu.memory_space<semaphore_mem>>) src(%dma_wait3A_11 : memref<62528x16xi32, #tpu.memory_space<hbm>>) dst(%arg8 : memref<512x16xi32, #tpu.memory_space<vmem>>)
    %iota3A = tpu.iota {dimensions = array<i32: 0>} : vector<16xi32>
    %scan3A_12 = arith.constant 0 : i32
    %scan3A_13 = arith.constant 0 : i32
    %scan3A_14 = arith.constant 32 : i32
    %scan3A_15 = arith.addi %scan3A_13, %scan3A_14 : i32
    %scan3A_16 = arith.constant 8 : i32
    scf.for %scan3A_24 = %scan3A_13 to %scan3A_15 step %scan3A_16  : i32 {
      %mul3A_25 = arith.constant 16 : i32
      %mul3A_26 = arith.muli %scan3A_24, %mul3A_25 : i32
      %get3A = arith.index_cast %mul3A_26 : i32 to index
      %get3A_27 = tpu.vector_load %arg6[%get3A] {strides = array<i32>} : memref<512xi32, #tpu.memory_space<vmem>>, vector<16xi32>,
      %and3A = arith.constant 15 : i32
      %and3A_28 = vector.broadcast %and3A : i32 to vector<16xi32>
      %and3A_29 = arith.andi %get3A_27, %and3A_28 : vector<16xi32>
      %mul3A_30 = arith.constant 16 : i32
      %mul3A_31 = arith.muli %scan3A_24, %mul3A_30 : i32
      %add3A_32 = vector.broadcast %mul3A_31 : i32 to vector<16xi32>
      %add3A_33 = arith.addi %add3A_32, %iota3A : vector<16xi32>
      %gather3A = tpu.vector_load_idx %arg8[%add3A_33, %and3A_29] : memref<512x16xi32, #tpu.memory_space<vmem>>[vector<16xi32>, vector<16xi32>], vector<16xi32>,
      %mul3A_34 = arith.constant 16 : i32
      %mul3A_35 = arith.muli %scan3A_24, %mul3A_34 : i32
      %swap3A = arith.index_cast %mul3A_35 : i32 to index
      %swap3A_36 = tpu.vector_load %arg9[%swap3A] {strides = array<i32>} : memref<512xi32, #tpu.memory_space<vmem>>, vector<16xi32>,
      tpu.vector_store %arg9[%swap3A], %gather3A {strides = array<i32>} : memref<512xi32, #tpu.memory_space<vmem>>, vector<16xi32>,
      %scan3A_37 = arith.constant 1 : i32
      %scan3A_38 = arith.addi %scan3A_24, %scan3A_37 : i32
      %mul3A_39 = arith.constant 16 : i32
      %mul3A_40 = arith.muli %scan3A_38, %mul3A_39 : i32
      %get3A_41 = arith.index_cast %mul3A_40 : i32 to index
      %get3A_42 = tpu.vector_load %arg6[%get3A_41] {strides = array<i32>} : memref<512xi32, #tpu.memory_space<vmem>>, vector<16xi32>,
      %and3A_43 = arith.constant 15 : i32
      %and3A_44 = vector.broadcast %and3A_43 : i32 to vector<16xi32>
      %and3A_45 = arith.andi %get3A_42, %and3A_44 : vector<16xi32>
      %mul3A_46 = arith.constant 16 : i32
      %mul3A_47 = arith.muli %scan3A_38, %mul3A_46 : i32
      %add3A_48 = vector.broadcast %mul3A_47 : i32 to vector<16xi32>
      %add3A_49 = arith.addi %add3A_48, %iota3A : vector<16xi32>
      %gather3A_50 = tpu.vector_load_idx %arg8[%add3A_49, %and3A_45] : memref<512x16xi32, #tpu.memory_space<vmem>>[vector<16xi32>, vector<16xi32>], vector<16xi32>,
      %mul3A_51 = arith.constant 16 : i32
      %mul3A_52 = arith.muli %scan3A_38, %mul3A_51 : i32
      %swap3A_53 = arith.index_cast %mul3A_52 : i32 to index
      %swap3A_54 = tpu.vector_load %arg9[%swap3A_53] {strides = array<i32>} : memref<512xi32, #tpu.memory_space<vmem>>, vector<16xi32>,
      tpu.vector_store %arg9[%swap3A_53], %gather3A_50 {strides = array<i32>} : memref<512xi32, #tpu.memory_space<vmem>>, vector<16xi32>,
      %scan3A_55 = arith.constant 2 : i32
      %scan3A_56 = arith.addi %scan3A_24, %scan3A_55 : i32
      %mul3A_57 = arith.constant 16 : i32
      %mul3A_58 = arith.muli %scan3A_56, %mul3A_57 : i32
      %get3A_59 = arith.index_cast %mul3A_58 : i32 to index
      %get3A_60 = tpu.vector_load %arg6[%get3A_59] {strides = array<i32>} : memref<512xi32, #tpu.memory_space<vmem>>, vector<16xi32>,
      %and3A_61 = arith.constant 15 : i32
      %and3A_62 = vector.broadcast %and3A_61 : i32 to vector<16xi32>
      %and3A_63 = arith.andi %get3A_60, %and3A_62 : vector<16xi32>
      %mul3A_64 = arith.constant 16 : i32
      %mul3A_65 = arith.muli %scan3A_56, %mul3A_64 : i32
      %add3A_66 = vector.broadcast %mul3A_65 : i32 to vector<16xi32>
      %add3A_67 = arith.addi %add3A_66, %iota3A : vector<16xi32>
      %gather3A_68 = tpu.vector_load_idx %arg8[%add3A_67, %and3A_63] : memref<512x16xi32, #tpu.memory_space<vmem>>[vector<16xi32>, vector<16xi32>], vector<16xi32>,
      %mul3A_69 = arith.constant 16 : i32
      %mul3A_70 = arith.muli %scan3A_56, %mul3A_69 : i32
      %swap3A_71 = arith.index_cast %mul3A_70 : i32 to index
      %swap3A_72 = tpu.vector_load %arg9[%swap3A_71] {strides = array<i32>} : memref<512xi32, #tpu.memory_space<vmem>>, vector<16xi32>,
      tpu.vector_store %arg9[%swap3A_71], %gather3A_68 {strides = array<i32>} : memref<512xi32, #tpu.memory_space<vmem>>, vector<16xi32>,
      %scan3A_73 = arith.constant 3 : i32
      %scan3A_74 = arith.addi %scan3A_24, %scan3A_73 : i32
      %mul3A_75 = arith.constant 16 : i32
      %mul3A_76 = arith.muli %scan3A_74, %mul3A_75 : i32
      %get3A_77 = arith.index_cast %mul3A_76 : i32 to index
      %get3A_78 = tpu.vector_load %arg6[%get3A_77] {strides = array<i32>} : memref<512xi32, #tpu.memory_space<vmem>>, vector<16xi32>,
      %and3A_79 = arith.constant 15 : i32
      %and3A_80 = vector.broadcast %and3A_79 : i32 to vector<16xi32>
      %and3A_81 = arith.andi %get3A_78, %and3A_80 : vector<16xi32>
      %mul3A_82 = arith.constant 16 : i32
      %mul3A_83 = arith.muli %scan3A_74, %mul3A_82 : i32
      %add3A_84 = vector.broadcast %mul3A_83 : i32 to vector<16xi32>
      %add3A_85 = arith.addi %add3A_84, %iota3A : vector<16xi32>
      %gather3A_86 = tpu.vector_load_idx %arg8[%add3A_85, %and3A_81] : memref<512x16xi32, #tpu.memory_space<vmem>>[vector<16xi32>, vector<16xi32>], vector<16xi32>,
      %mul3A_87 = arith.constant 16 : i32
      %mul3A_88 = arith.muli %scan3A_74, %mul3A_87 : i32
      %swap3A_89 = arith.index_cast %mul3A_88 : i32 to index
      %swap3A_90 = tpu.vector_load %arg9[%swap3A_89] {strides = array<i32>} : memref<512xi32, #tpu.memory_space<vmem>>, vector<16xi32>,
      tpu.vector_store %arg9[%swap3A_89], %gather3A_86 {strides = array<i32>} : memref<512xi32, #tpu.memory_space<vmem>>, vector<16xi32>,
      %scan3A_91 = arith.constant 4 : i32
      %scan3A_92 = arith.addi %scan3A_24, %scan3A_91 : i32
      %mul3A_93 = arith.constant 16 : i32
      %mul3A_94 = arith.muli %scan3A_92, %mul3A_93 : i32
      %get3A_95 = arith.index_cast %mul3A_94 : i32 to index
      %get3A_96 = tpu.vector_load %arg6[%get3A_95] {strides = array<i32>} : memref<512xi32, #tpu.memory_space<vmem>>, vector<16xi32>,
      %and3A_97 = arith.constant 15 : i32
      %and3A_98 = vector.broadcast %and3A_97 : i32 to vector<16xi32>
      %and3A_99 = arith.andi %get3A_96, %and3A_98 : vector<16xi32>
      %mul3A_100 = arith.constant 16 : i32
      %mul3A_101 = arith.muli %scan3A_92, %mul3A_100 : i32
      %add3A_102 = vector.broadcast %mul3A_101 : i32 to vector<16xi32>
      %add3A_103 = arith.addi %add3A_102, %iota3A : vector<16xi32>
      %gather3A_104 = tpu.vector_load_idx %arg8[%add3A_103, %and3A_99] : memref<512x16xi32, #tpu.memory_space<vmem>>[vector<16xi32>, vector<16xi32>], vector<16xi32>,
      %mul3A_105 = arith.constant 16 : i32
      %mul3A_106 = arith.muli %scan3A_92, %mul3A_105 : i32
      %swap3A_107 = arith.index_cast %mul3A_106 : i32 to index
      %swap3A_108 = tpu.vector_load %arg9[%swap3A_107] {strides = array<i32>} : memref<512xi32, #tpu.memory_space<vmem>>, vector<16xi32>,
      tpu.vector_store %arg9[%swap3A_107], %gather3A_104 {strides = array<i32>} : memref<512xi32, #tpu.memory_space<vmem>>, vector<16xi32>,
      %scan3A_109 = arith.constant 5 : i32
      %scan3A_110 = arith.addi %scan3A_24, %scan3A_109 : i32
      %mul3A_111 = arith.constant 16 : i32
      %mul3A_112 = arith.muli %scan3A_110, %mul3A_111 : i32
      %get3A_113 = arith.index_cast %mul3A_112 : i32 to index
      %get3A_114 = tpu.vector_load %arg6[%get3A_113] {strides = array<i32>} : memref<512xi32, #tpu.memory_space<vmem>>, vector<16xi32>,
      %and3A_115 = arith.constant 15 : i32
      %and3A_116 = vector.broadcast %and3A_115 : i32 to vector<16xi32>
      %and3A_117 = arith.andi %get3A_114, %and3A_116 : vector<16xi32>
      %mul3A_118 = arith.constant 16 : i32
      %mul3A_119 = arith.muli %scan3A_110, %mul3A_118 : i32
      %add3A_120 = vector.broadcast %mul3A_119 : i32 to vector<16xi32>
      %add3A_121 = arith.addi %add3A_120, %iota3A : vector<16xi32>
      %gather3A_122 = tpu.vector_load_idx %arg8[%add3A_121, %and3A_117] : memref<512x16xi32, #tpu.memory_space<vmem>>[vector<16xi32>, vector<16xi32>], vector<16xi32>,
      %mul3A_123 = arith.constant 16 : i32
      %mul3A_124 = arith.muli %scan3A_110, %mul3A_123 : i32
      %swap3A_125 = arith.index_cast %mul3A_124 : i32 to index
      %swap3A_126 = tpu.vector_load %arg9[%swap3A_125] {strides = array<i32>} : memref<512xi32, #tpu.memory_space<vmem>>, vector<16xi32>,
      tpu.vector_store %arg9[%swap3A_125], %gather3A_122 {strides = array<i32>} : memref<512xi32, #tpu.memory_space<vmem>>, vector<16xi32>,
      %scan3A_127 = arith.constant 6 : i32
      %scan3A_128 = arith.addi %scan3A_24, %scan3A_127 : i32
      %mul3A_129 = arith.constant 16 : i32
      %mul3A_130 = arith.muli %scan3A_128, %mul3A_129 : i32
      %get3A_131 = arith.index_cast %mul3A_130 : i32 to index
      %get3A_132 = tpu.vector_load %arg6[%get3A_131] {strides = array<i32>} : memref<512xi32, #tpu.memory_space<vmem>>, vector<16xi32>,
      %and3A_133 = arith.constant 15 : i32
      %and3A_134 = vector.broadcast %and3A_133 : i32 to vector<16xi32>
      %and3A_135 = arith.andi %get3A_132, %and3A_134 : vector<16xi32>
      %mul3A_136 = arith.constant 16 : i32
      %mul3A_137 = arith.muli %scan3A_128, %mul3A_136 : i32
      %add3A_138 = vector.broadcast %mul3A_137 : i32 to vector<16xi32>
      %add3A_139 = arith.addi %add3A_138, %iota3A : vector<16xi32>
      %gather3A_140 = tpu.vector_load_idx %arg8[%add3A_139, %and3A_135] : memref<512x16xi32, #tpu.memory_space<vmem>>[vector<16xi32>, vector<16xi32>], vector<16xi32>,
      %mul3A_141 = arith.constant 16 : i32
      %mul3A_142 = arith.muli %scan3A_128, %mul3A_141 : i32
      %swap3A_143 = arith.index_cast %mul3A_142 : i32 to index
      %swap3A_144 = tpu.vector_load %arg9[%swap3A_143] {strides = array<i32>} : memref<512xi32, #tpu.memory_space<vmem>>, vector<16xi32>,
      tpu.vector_store %arg9[%swap3A_143], %gather3A_140 {strides = array<i32>} : memref<512xi32, #tpu.memory_space<vmem>>, vector<16xi32>,
      %scan3A_145 = arith.constant 7 : i32
      %scan3A_146 = arith.addi %scan3A_24, %scan3A_145 : i32
      %mul3A_147 = arith.constant 16 : i32
      %mul3A_148 = arith.muli %scan3A_146, %mul3A_147 : i32
      %get3A_149 = arith.index_cast %mul3A_148 : i32 to index
      %get3A_150 = tpu.vector_load %arg6[%get3A_149] {strides = array<i32>} : memref<512xi32, #tpu.memory_space<vmem>>, vector<16xi32>,
      %and3A_151 = arith.constant 15 : i32
      %and3A_152 = vector.broadcast %and3A_151 : i32 to vector<16xi32>
      %and3A_153 = arith.andi %get3A_150, %and3A_152 : vector<16xi32>
      %mul3A_154 = arith.constant 16 : i32
      %mul3A_155 = arith.muli %scan3A_146, %mul3A_154 : i32
      %add3A_156 = vector.broadcast %mul3A_155 : i32 to vector<16xi32>
      %add3A_157 = arith.addi %add3A_156, %iota3A : vector<16xi32>
      %gather3A_158 = tpu.vector_load_idx %arg8[%add3A_157, %and3A_153] : memref<512x16xi32, #tpu.memory_space<vmem>>[vector<16xi32>, vector<16xi32>], vector<16xi32>,
      %mul3A_159 = arith.constant 16 : i32
      %mul3A_160 = arith.muli %scan3A_146, %mul3A_159 : i32
      %swap3A_161 = arith.index_cast %mul3A_160 : i32 to index
      %swap3A_162 = tpu.vector_load %arg9[%swap3A_161] {strides = array<i32>} : memref<512xi32, #tpu.memory_space<vmem>>, vector<16xi32>,
      tpu.vector_store %arg9[%swap3A_161], %gather3A_158 {strides = array<i32>} : memref<512xi32, #tpu.memory_space<vmem>>, vector<16xi32>,
    }
    %scan3A_17 = arith.constant 32 : i32
    %dma_start3A_18 = arith.constant 0 : i32
    %dma_start3A_19 = arith.constant 0 : i32
    %dma_start3A_20 = tpu.memref_slice %arg4[%dma_start3A_18, %dma_start3A_19] : memref<16384x64xf32, #tpu.memory_space<hbm>> -> memref<16384x64xf32, #tpu.memory_space<hbm>>
    tpu.enqueue_indirect_dma source(%dma_start3A_20 : memref<16384x64xf32, #tpu.memory_space<hbm>>) target(%arg10 : memref<512x64xf32, #tpu.memory_space<vmem>>) offsets(%arg9 : memref<512xi32, #tpu.memory_space<vmem>>) semaphore(%arg12 : memref<!tpu.dma_semaphore, #tpu.memory_space<semaphore_mem>>)
    %dma_wait3A_21 = arith.constant 0 : i32
    %dma_wait3A_22 = arith.constant 0 : i32
    %dma_wait3A_23 = tpu.memref_slice %arg4[%dma_wait3A_21, %dma_wait3A_22] : memref<16384x64xf32, #tpu.memory_space<hbm>> -> memref<16384x64xf32, #tpu.memory_space<hbm>>
    tpu.wait_indirect_dma semaphore(%arg12 : memref<!tpu.dma_semaphore, #tpu.memory_space<semaphore_mem>>) src(%dma_wait3A_23 : memref<16384x64xf32, #tpu.memory_space<hbm>>) dst(%arg10 : memref<512x64xf32, #tpu.memory_space<vmem>>)
    "tpu.region"() ({
      %run_scoped3A = tpu.sem_alloc : memref<!tpu.dma_semaphore, #tpu.memory_space<semaphore_mem>>
      %dma_start3A_24 = arith.constant 0 : i32
      %dma_start3A_25 = tpu.memref_slice %arg5[%mul3A_2, %dma_start3A_24] : memref<16384x64xf32, #tpu.memory_space<hbm>> -> memref<512x64xf32, #tpu.memory_space<hbm>>
      %dma_start3A_26 = arith.constant 0 : i32
      %dma_start3A_27 = tpu.memref_slice %arg5[%mul3A_2, %dma_start3A_26] : memref<16384x64xf32, #tpu.memory_space<hbm>> -> memref<512x64xf32, #tpu.memory_space<hbm>>
      tpu.enqueue_dma source(%arg10 : memref<512x64xf32, #tpu.memory_space<vmem>>) target(%dma_start3A_27 : memref<512x64xf32, #tpu.memory_space<hbm>>) target_semaphore(%run_scoped3A : memref<!tpu.dma_semaphore, #tpu.memory_space<semaphore_mem>>)
      %dma_wait3A_28 = arith.constant 0 : i32
      %dma_wait3A_29 = tpu.memref_slice %arg5[%mul3A_2, %dma_wait3A_28] : memref<16384x64xf32, #tpu.memory_space<hbm>> -> memref<512x64xf32, #tpu.memory_space<hbm>>
      %dma_wait3A_30 = arith.constant 0 : i32
      %dma_wait3A_31 = tpu.memref_slice %arg5[%mul3A_2, %dma_wait3A_30] : memref<16384x64xf32, #tpu.memory_space<hbm>> -> memref<512x64xf32, #tpu.memory_space<hbm>>
      tpu.wait_dma2 semaphore(%run_scoped3A : memref<!tpu.dma_semaphore, #tpu.memory_space<semaphore_mem>>) src(%arg10 : memref<512x64xf32, #tpu.memory_space<vmem>>) dst(%dma_wait3A_31 : memref<512x64xf32, #tpu.memory_space<hbm>>)
      tpu.yield
    }) : () -> ()
    return
  }
}

</mosaic_0001>

<sc_bundles>
// kernel: kernel.4.cloned.1.call-start
scs
__scs_entry_jumppad:
0x0: {  	(pc) =	sbr.rel $0x88, $3  }
0x1: {  	(tag) =	ssettag $0x0;
	lr =	simm.s32 $0x1  }
0x2: {  	[smem:$0x3F9F] =	sst lr;
	_ =	strace $0xD0000000  }
0x3: {  	_ = 	snop  }
0x4: {  	_ = 	snop  }
0x5: {  	_ = 	snop  }
0x6: {  	_ = 	snop  }
0x7: {  	_ = 	snop  }
__scs_overlays_trampoline_lowered:
0x8: {  	[smem:$0x3FAE] =	sst s0  }
0x9: {  	[smem:$0x3FAF] =	sst s1  }
0xa: {  	[smem:$0x3FB0] =	sst s2  }
0xb: {  	[smem:$0x3FB1] =	sst s3  }
0xc: {  	[smem:$0x3FB2] =	sst s4  }
0xd: {  	[smem:$0x3FB3] =	sst s5  }
0xe: {  	[smem:$0x3FB4] =	sst s6  }
0xf: {  	[smem:$0x3FB5] =	sst s7  }
0x10: {  	[smem:$0x3FB6] =	sst s8  }
0x11: {  	[smem:$0x3FB7] =	sst s9;
	s0 =	simm.s32 @!p0 $0x0  }
0x12: {  	s1 =	sld [smem:$0x3F9D];
	s0 =	simm.s32 @p0 $0x1  }
0x13: {  	[smem:$0x3FB8] =	sst s0;
	s0 =	simm.s32 @!p1 $0x0  }
0x14: {  	s2 =	sld [smem:$0x3F9C];
	s0 =	simm.s32 @p1 $0x1  }
0x15: {  	[smem:$0x3FB9] =	sst s0;
	s0 =	simm.s32 @!p2 $0x0  }
0x16: {  	s3 =	sld [smem:$0x3FDB];
	s0 =	simm.s32 @p2 $0x1  }
0x17: {  	s4 =	simm.s32 $0x1BF5;
	[smem:$0x3FBB] =	sst s0  }
0x18: {  	s0 =	sld [smem:$0x3F9E];
	_ =	swait.ge [sflag:s4], $0x0  }
0x19: {  	s7 =	sld [smem:$0x3F9F]  }
0x1a: {  	s8 =	sadd.s32 $0xFFFFE003, lr  }
0x1b: {  	s9 =	sadd.s32 $0xFFFFFEF7, lr;
	s5 =	simm.s32 $0xFFFFFFFF;
	p2 =	slt.u32 s8, $0xFFFFF086  }
0x1c: {  	p1 =	slt.u32 s9, $0xF7A;
	s5 =	simm.s32 @!p2 $0x0  }
0x1d: {  	s5 =	simm.s32 @p1 $0x1;
	p0 =	seq.s32 s7, s2  }
0x1e: {  	s7 =	smul.u32 @!p0 $0xF7A, s2;
	p2 =	seq.s32 @!p0 s5, $0x0  }
0x1f: {  	s9 =	smul.u32 $0xF7A, s1;
	s8 =	simm.s32 @!p0 $0x1BF5;
	p2 =	por !p2, p0  }
0x20: {  	[sflag:s8] =	ssyncset.s32 @!p0 $0xFFFFF086;
	s6 =	sadd.s32 @!p0 s3, s7;
	s7 =	simm.s32 @!p0 $0x108  }
0x21: {  	s3 =	sadd.s32 s3, s9;
	s6 =	sadd.s32 @!p0 $0x88, s6;
	s7 =	simm.s32 @p2 $0x1082  }
0x22: {  	[simem:s7], [sflag:s8] =	dma.local @!p0 [hbm:s6], $0xF7A  }
0x23: {  	s9 =	sor.u32 $0xD0000000, s2;
	s6 =	simm.s32 $0x108;
	_ =	swait.ge @!p0 [sflag:s8], $0x0  }
0x24: {  	s3 =	sadd.s32 $0x88, s3;
	s6 =	simm.s32 @!p1 $0x1082;
	[sflag:s4] =	ssyncset.s32 $0xFFFFF086  }
0x25: {  	[simem:s6], [sflag:s4] =	dma.local [hbm:s3], $0xF7A  }
0x26: {  	[smem:$0x3F9F] =	sst s1;
	(tag) =	ssettag s2;
	_ =	strace s9  }
0x27: {  	s1 =	sld [smem:$0x3FAF]  }
0x28: {  	s2 =	sld [smem:$0x3FB0]  }
0x29: {  	s4 =	sld [smem:$0x3FB2]  }
0x2a: {  	p0 =	seq.s32 s5, $0x0;
	s5 =	sld [smem:$0x3FB3]  }
0x2b: {  	s6 =	sld [smem:$0x3FB4]  }
0x2c: {  	s7 =	sld [smem:$0x3FB5]  }
0x2d: {  	s3 =	simm.s32 $0x108;
	s8 =	sld [smem:$0x3FB6]  }
0x2e: {  	s3 =	simm.s32 @!p0 $0x1082;
	s9 =	sld [smem:$0x3FB7]  }
0x2f: {  	lr =	sadd.s32 s0, s3;
	s0 =	sld [smem:$0x3FAE]  }
0x30: {  	s3 =	sld [smem:$0x3FB1]  }
0x31: {  	[smem:$0x3FBA] =	sst s10  }
0x32: {  	s10 =	sld [smem:$0x3FB8];
	_ =	sdelay $0x3  }
0x33: {  	p0 =	seq.s32 s10, $0x1;
	s10 =	sld [smem:$0x3FBA];
	_ =	sdelay $0x3  }
0x34: {  	[smem:$0x3FBA] =	sst s10  }
0x35: {  	s10 =	sld [smem:$0x3FB9];
	_ =	sdelay $0x3  }
0x36: {  	p1 =	seq.s32 s10, $0x1;
	s10 =	sld [smem:$0x3FBA];
	_ =	sdelay $0x3  }
0x37: {  	[smem:$0x3FBA] =	sst s10  }
0x38: {  	s10 =	sld [smem:$0x3FBB]  }
0x39: {  	_ = 	snop;
	(pc) =	sbr.ind lr, $3  }
0x3a: {  	_ = 	snop  }
0x3b: {  	_ = 	snop  }
0x3c: {  	p2 =	seq.s32 s10, $0x1;
	s10 =	sld [smem:$0x3FBA]  }
0x3d: {  	_ =	shalt  }
0x3e: {  	_ =	shalt  }
0x3f: {  	_ =	shalt  }
0x40: {  	_ =	shalt  }
0x41: {  	_ =	shalt  }
0x42: {  	_ =	shalt  }
0x43: {  	_ =	shalt  }
0x44: {  	_ =	shalt  }
0x45: {  	_ =	shalt  }
0x46: {  	_ =	shalt  }
0x47: {  	_ =	shalt  }
0x48: {  	_ =	shalt  }
0x49: {  	_ =	shalt  }
0x4a: {  	_ =	shalt  }
0x4b: {  	_ =	shalt  }
0x4c: {  	_ =	shalt  }
0x4d: {  	_ =	shalt  }
0x4e: {  	_ =	shalt  }
0x4f: {  	_ =	shalt  }
0x50: {  	_ =	shalt  }
0x51: {  	_ =	shalt  }
0x52: {  	_ =	shalt  }
0x53: {  	_ =	shalt  }
0x54: {  	_ =	shalt  }
0x55: {  	_ =	shalt  }
0x56: {  	_ =	shalt  }
0x57: {  	_ =	shalt  }
0x58: {  	_ =	shalt  }
0x59: {  	_ =	shalt  }
0x5a: {  	_ =	shalt  }
0x5b: {  	_ =	shalt  }
0x5c: {  	_ =	shalt  }
0x5d: {  	_ =	shalt  }
0x5e: {  	_ =	shalt  }
0x5f: {  	_ =	shalt  }
0x60: {  	_ =	shalt  }
0x61: {  	_ =	shalt  }
0x62: {  	_ =	shalt  }
0x63: {  	_ =	shalt  }
0x64: {  	_ =	shalt  }
0x65: {  	_ =	shalt  }
0x66: {  	_ =	shalt  }
0x67: {  	_ =	shalt  }
0x68: {  	_ =	shalt  }
0x69: {  	_ =	shalt  }
0x6a: {  	_ =	shalt  }
0x6b: {  	_ =	shalt  }
0x6c: {  	_ =	shalt  }
0x6d: {  	_ =	shalt  }
0x6e: {  	_ =	shalt  }
0x6f: {  	_ =	shalt  }
0x70: {  	_ =	shalt  }
0x71: {  	_ =	shalt  }
0x72: {  	_ =	shalt  }
0x73: {  	_ =	shalt  }
0x74: {  	_ =	shalt  }
0x75: {  	_ =	shalt  }
0x76: {  	_ =	shalt  }
0x77: {  	_ =	shalt  }
0x78: {  	_ =	shalt  }
0x79: {  	_ =	shalt  }
0x7a: {  	_ =	shalt  }
0x7b: {  	_ =	shalt  }
0x7c: {  	_ =	shalt  }
0x7d: {  	_ =	shalt  }
0x7e: {  	_ =	shalt  }
0x7f: {  	_ =	shalt  }
0x80: {  	_ =	shalt  }
0x81: {  	_ =	shalt  }
0x82: {  	_ =	shalt  }
0x83: {  	_ =	shalt  }
0x84: {  	_ =	shalt  }
0x85: {  	_ =	shalt  }
0x86: {  	_ =	shalt  }
0x87: {  	_ =	shalt  }
.Lfunc_end0:
.L_simem_size_0:
called_computation_lowered:
.L_overlay_start_0:
0x88: {  	s2 =	sld [smem:$0x3FD9]  }
0x89: {  	s3 =	sld [smem:$0x3FFE];
	_ =	sdelay $0x1  }
0x8a: {  	s1 =	srdreg.scid  }
0x8b: {  	s0 =	sand.u32 $0x1, s1  }
0x8c: {  	s17 =	sshll.u32 s0, $0xA;
	s2 =	sadd.s32 s3, s2  }
0x8d: {  	s2 =	sadd.s32 s2, s17  }
0x8e: {  	[smem:$0x3FC6] =	sst s2  }
0x8f: {  	_ = 	snop  }
0x90: {  	s2 =	sld [smem:$0x3FC9];
	(tm) =	ssettm $0x1  }
0x91: {  	s18 =	sld [smem:$0x3FFB];
	_ =	sdelay $0x3  }
0x92: {  	_ =	strace s18  }
0x93: {  	s3 =	sld [smem:$0x3FFC];
	_ =	sdelay $0x3  }
0x94: {  	_ =	strace s3  }
0x95: {  	s3 =	sld [smem:$0x3FFD];
	_ =	sdelay $0x3  }
0x96: {  	_ =	strace s3  }
0x97: {  	_ =	strace $0x8FFFFFFF  }
0x98: {  	s19 =	sld [smem:$0x3FDB];
	_ =	sdelay $0x1  }
0x99: {  	s4 =	simm.s32 $_scs_section_size  }
0x9a: {  	s5 =	simm.s32 $_size__tile_overlayer_lowered;
	s6 =	simm.s32 $_tile_overlayer_lowered  }
0x9b: {  	s22 =	simm.s32 $0x1BFF;
	s21 =	sshll.u32 s6, $0x1;
	s3 =	sadd.s32 s4, s19  }
0x9c: {  	s7 =	simm.s32 $0x0;
	s20 =	sshll.u32 s5, $0x1;
	s5 =	sadd.s32 s21, s3  }
0x9d: {  	[timem:s7], [sflag:s22] =	dma.local [hbm:s5], s20  }
0x9e: {  	_ =	swait.ge [sflag:s22], s20  }
0x9f: {  	s4 =	ssub.s32 $0x0, s20;
	[sflag:s22] =	ssyncset.done $0x0  }
0xa0: {  	[sflag:s22] =	ssyncadd.s32 s4;
	_ =	sdelay $0x1  }
0xa1: {  	s23 =	simm.s32 $0x1B8B  }
0xa2: {  	_ =	swait.ge [sflag:s23], $0x1  }
0xa3: {  	[sflag:s23] =	ssyncset.done $0x0  }
0xa4: {  	s25 =	simm.s32 $0x1B8E;
	s24 =	sld [smem:$0x3FFE];
	[sflag:s23] =	ssyncadd.s32 $0xFFFFFFFF  }
0xa5: {  	s26 =	simm.s32 $execute0_lowered;
	[smem:$0x3FD2] =	sst s25  }
0xa6: {  	s5 =	sshll.u32 s26, $0x1;
	_ =	strace $0x80000046;
	[dreg:$0x1] =	wrdreg $0xFFFFFFFF  }
0xa7: {  	s28 =	simm.s32 $_size_execute0_lowered;
	s3 =	sadd.s32 s3, s5;
	[dreg:$0x0] =	wrdreg $0x0  }
0xa8: {  	s5 =	sshll.u32 s28, $0x1;
	[dreg:$0x2] =	wrdreg s3  }
0xa9: {  	[dreg:$0x3] =	wrdreg s5  }
0xaa: {  	[dreg:$0x4] =	wrdreg $0xC0  }
0xab: {  	_ =	task [dreg:s7], $0x5FFFF  }
0xac: {  	[dreg:$0x1] =	wrdreg $0xFFFFFFFF  }
0xad: {  	[dreg:$0x0] =	wrdreg $0x60  }
0xae: {  	[dreg:$0x2] =	wrdreg s2  }
0xaf: {  	[dreg:$0x3] =	wrdreg s24  }
0xb0: {  	[dreg:$0x4] =	wrdreg $0x9  }
0xb1: {  	_ =	task.clear_ibuf [dreg:s7], $0x5FFFF;
	_ =	strace $0x90000046  }
0xb2: {  	s29 =	simm.s32 $0x9;
	_ =	strace $0x80000048  }
0xb3: {  	_ =	swait.ge [sflag:s29], $0x1  }
0xb4: {  	[sflag:s29] =	ssyncadd.s32 $0xFFFFFFFF  }
0xb5: {  	_ =	strace $0x90000048  }
0xb6: {  	_ =	sfence  }
0xb7: {  	s30 =	sld [smem:$0x0];
	_ =	sdelay $0x2  }
0xb8: {  	s31 =	sshll.u32 s1, $0xD;
	s1 =	sshrl.u32 s1, $0x2  }
0xb9: {  	s3 =	sand.u32 $0x4000, s31;
	s1 =	sadd.s32 s1, s30  }
0xba: {  	s0 =	sor.u32 s3, s0;
	s1 =	sshll.u32 s1, $0x11  }
0xbb: {  	s0 =	sor.u32 s1, s0  }
0xbc: {  	s0 =	sadd.s32 $0x8F2B, s0  }
0xbd: {  	[sflag:s0] =	ssyncadd.remote.s32 $0x1  }
0xbe: {  	_ =	sfence.sel $0xFFFF  }
0xbf: {  	[dreg:$0x0] =	wrdreg $0xFFFFFFFF;
	(pc) =	sbr.abs _section_cstart, $3  }
0xc0: {  	[dreg:$0x1] =	wrdreg $0xFFFFFFFF  }
0xc1: {  	_ =	task.clear_ibuf [dreg:s7], $0x2FFFF;
	_ =	strace $0x9FFFFFFF  }
0xc2: {  	(tm) =	ssettm $0x7FFFFFFF  }
0xc3: {  	_ =	shalt  }
tec
execute0_lowered:
.L_overlay_start_1:
0x0: {  	(tag) =	ssettag $0x1  }
0x1: {  	s2 =	rddreg [dreg:$0x0];
	s1 =	srdreg.scid  }
0x2: {  	s0 =	stileid.u32;
	s4 =	rddreg [dreg:$0x1]  }
0x3: {  	s5 =	sand.u32 $0x1, s1;
	s3 =	sshll.u32 s0, $0x1;
	s1 =	rddreg [dreg:$0x2]  }
0x4: {  	s6 =	sor.u32 s5, s3;
	s3 =	simm.s32 $0x0;
	s5 =	ssub.s32 $0x2, s5  }
0x5: {  	s7 =	smul.u32 $0xF44, s6;
	[smem:$0x7FF] =	sst s3;
	s8 =	sshrl.u32 s5, $0x1  }
0x6: {  	s6 =	smul.u32 $0x7A20, s6;
	s5 =	ssub.s32 s5, s8;
	_ =	strace $0x80000047  }
0x7: {  	s8 =	simm.s32 $0x0;
	s4 =	sadd.s32 s7, s4;
	s5 =	smax.u32 s5, $0x1  }
0x8: {  	v1 =	vlaneseq.u32;
	v0 =	vmov s6;
	s6 =	simm.s32 $0x1;
	s7 =	simm.s32 $0x4000;
	s4 =	sadd.s32 $0xA00, s4  }
.LBB2_1:
0x9: {  	[tilespmem:s3], [sflag:$0x1] =	stream.linear.gather [hbm4b:s2+s3], $0x4000, $0x38;
	[tilespmem:$0xBA20] =	vst v63  }
0xa: {  	_ =	swait.ge [sflag:s6], $0x4000  }
0xb: {  	[sflag:s6] =	ssyncset.done $0x0  }
0xc: {  	s9 =	simm.s32 $0x40;
	[sflag:s6] =	ssyncadd.s32 $0xFFFFC000  }
0xd: {  	v3 =	vld [tilespmem:s9+$0xFFFFFFD0]  }
0xe: {  	v5 =	vld [tilespmem:s9+$0xFFFFFFC0]  }
0xf: {  	v9 =	vld [tilespmem:s9+$0xFFFFFFE0]  }
0x10: {  	v11 =	vld [tilespmem:s9+$0xFFFFFFF0];
	_ =	sdelay $0x2  }
0x11: {  	v2 =	vor.u32 s3, v1;
	s10 =	simm.s32 $0x10;
	v17 =	vsub.s32 v3, v0;
	v8 =	vand.u32 $0xF, v3  }
0x12: {  	v4 =	vld [tilespmem:s9+$0x20];
	v6 =	vsub.s32 v5, v0;
	v7 =	vand.u32 $0xF, v5;
	v5 =	vor.u32 s10, v1  }
0x13: {  	v3 =	vld [tilespmem:s9+$0x30];
	v12 =	vsub.s32 v9, v0;
	v13 =	vsub.s32 v11, v0;
	v15 =	vand.u32 $0xF, v9  }
0x14: {  	v10 =	vand.u32 $0xFFFFFFF0, v17;
	vm1 =	vlt.u32 v6, $0x7A20;
	v6 =	vand.u32 $0xFFFFFFF0, v6  }
0x15: {  	vm0 =	vlt.u32 v12, $0x7A20;
	v14 =	vand.u32 $0xFFFFFFF0, v12;
	v16 =	vand.u32 $0xFFFFFFF0, v13;
	v12 =	vld [tilespmem:s9+$0x0]  }
0x16: {  	vm2 =	vlt.u32 v13, $0x7A20;
	v13 =	vld [tilespmem:s9+$0x10];
	vm3 =	vlt.u32 v17, $0x7A20;
	v17 =	vand.u32 $0xF, v11  }
0x17: {  	s31 =	simm.s32 $0x20;
	v7 =	vor.u32 v7, v6;
	v8 =	vor.u32 v8, v10;
	v10 =	vsub.s32 v4, v0  }
0x18: {  	s11 =	simm.s32 $0x80;
	s10 =	simm.s32 $0x0;
	v6 =	vor.u32 s31, v1;
	v11 =	vand.u32 $0xFFFFFFF0, v10;
	v9 =	vsub.s32 v3, v0  }
.LBB2_2:
0x19: {  	p0 =	sne.s32 s11, $0x3F80  }
0x1a: {  	v16 =	vor.u32 v17, v16;
	v17 =	vand.u32 $0xF, v12;
	v18 =	vand.u32 $0xFFFFFFF0, v9;
	s9 =	sadd.s32 $0x80, s9;
	s12 =	smov.u32 s11;
	s11 =	sadd.s32 $0x80, s11  }
0x1b: {  	v14 =	vor.u32 v15, v14;
	v12 =	vsub.s32 v12, v0;
	v15 =	vand.u32 $0xF, v13  }
0x1c: {  	vm4 =	vlt.u32 v12, $0x7A20;
	v12 =	vand.u32 $0xFFFFFFF0, v12;
	v13 =	vsub.s32 v13, v0  }
0x1d: {  	v12 =	vor.u32 v17, v12;
	vm5 =	vlt.u32 v13, $0x7A20;
	v13 =	vand.u32 $0xFFFFFFF0, v13  }
0x1e: {  	v4 =	vand.u32 $0xF, v4;
	[tilespmem:v7+s7+$0x0] =	vst.idx.msk vm1, v2;
	v2 =	vor.u32 v15, v13;
	vm1 =	vlt.u32 v10, $0x7A20  }
0x1f: {  	s13 =	sadd.s32 $0x30, s10;
	v3 =	vand.u32 $0xF, v3;
	v4 =	vor.u32 v4, v11;
	[tilespmem:v8+s7+$0x0] =	vst.idx.msk vm3, v5;
	vm3 =	vlt.u32 v9, $0x7A20  }
0x20: {  	s14 =	sadd.s32 $0x40, s10;
	v3 =	vor.u32 v3, v18;
	v5 =	vor.u32 s13, v1;
	[tilespmem:v14+s7+$0x0] =	vst.idx.msk vm0, v6  }
0x21: {  	s13 =	sadd.s32 $0x50, s10;
	[tilespmem:v16+s7+$0x0] =	vst.idx.msk vm2, v5;
	v5 =	vor.u32 s14, v1  }
0x22: {  	s14 =	sadd.s32 $0x60, s10;
	[tilespmem:v12+s7+$0x0] =	vst.idx.msk vm4, v5;
	v5 =	vor.u32 s13, v1  }
0x23: {  	s13 =	sadd.s32 $0x70, s10;
	s10 =	smov.u32 s12;
	[tilespmem:v2+s7+$0x0] =	vst.idx.msk vm5, v5;
	v2 =	vor.u32 s14, v1  }
0x24: {  	[tilespmem:v4+s7+$0x0] =	vst.idx.msk vm1, v2;
	v4 =	vor.u32 s13, v1  }
0x25: {  	v2 =	vor.u32 s10, v1;
	[tilespmem:v3+s7+$0x0] =	vst.idx.msk vm3, v4  }
0x26: {  	v5 =	vld [tilespmem:s9+$0xFFFFFFD0]  }
0x27: {  	v6 =	vld [tilespmem:s9+$0xFFFFFFC0]  }
0x28: {  	v9 =	vld [tilespmem:s9+$0xFFFFFFE0]  }
0x29: {  	v11 =	vld [tilespmem:s9+$0xFFFFFFF0]  }
0x2a: {  	v4 =	vld [tilespmem:s9+$0x20]  }
0x2b: {  	v3 =	vld [tilespmem:s9+$0x30];
	v17 =	vsub.s32 v5, v0;
	v8 =	vand.u32 $0xF, v5  }
0x2c: {  	s12 =	sadd.s32 $0x10, s10;
	v5 =	vsub.s32 v6, v0;
	v6 =	vand.u32 $0xF, v6;
	v10 =	vand.u32 $0xFFFFFFF0, v17  }
0x2d: {  	s13 =	sadd.s32 $0x20, s10;
	vm1 =	vlt.u32 v5, $0x7A20;
	v7 =	vand.u32 $0xFFFFFFF0, v5;
	v5 =	vor.u32 s12, v1  }
.Ltmp0:
0x2e: {  	v14 =	vsub.s32 v9, v0;
	v12 =	vld [tilespmem:s9+$0x0];
	v7 =	vor.u32 v6, v7;
	v18 =	vsub.s32 v11, v0;
	(pc) =	sbr.rel @p0 .LBB2_2-.Ltmp0, $4  }
0x2f: {  	vm0 =	vlt.u32 v14, $0x7A20;
	v6 =	vor.u32 s13, v1;
	v14 =	vand.u32 $0xFFFFFFF0, v14;
	v13 =	vld [tilespmem:s9+$0x10]  }
0x30: {  	v8 =	vor.u32 v8, v10;
	v15 =	vand.u32 $0xF, v9;
	v16 =	vand.u32 $0xFFFFFFF0, v18  }
0x31: {  	vm2 =	vlt.u32 v18, $0x7A20;
	v10 =	vsub.s32 v4, v0;
	v9 =	vsub.s32 v3, v0  }
0x32: {  	vm3 =	vlt.u32 v17, $0x7A20;
	v17 =	vand.u32 $0xF, v11;
	v11 =	vand.u32 $0xFFFFFFF0, v10  }
0x33: {  	_ = 	snop  }
0x34: {  	v16 =	vor.u32 v17, v16;
	v57 =	vand.u32 $0xF, v12;
	v18 =	vand.u32 $0xFFFFFFF0, v9  }
0x35: {  	v14 =	vor.u32 v15, v14;
	v58 =	vsub.s32 v12, v0;
	v59 =	vand.u32 $0xF, v13  }
0x36: {  	vm4 =	vlt.u32 v58, $0x7A20;
	v12 =	vand.u32 $0xFFFFFFF0, v58;
	v60 =	vsub.s32 v13, v0  }
0x37: {  	v12 =	vor.u32 v57, v12;
	vm5 =	vlt.u32 v60, $0x7A20;
	v13 =	vand.u32 $0xFFFFFFF0, v60  }
0x38: {  	[tilespmem:v7+s7+$0x0] =	vst.idx.msk vm1, v2;
	vm14 =	vlt.u32 v10, $0x7A20;
	v4 =	vand.u32 $0xF, v4;
	v2 =	vor.u32 v59, v13  }
0x39: {  	s9 =	sadd.s32 $0x30, s10;
	vm15 =	vlt.u32 v9, $0x7A20;
	v3 =	vand.u32 $0xF, v3;
	[tilespmem:v8+s7+$0x0] =	vst.idx.msk vm3, v5;
	v4 =	vor.u32 v4, v11  }
0x3a: {  	s11 =	sadd.s32 $0x40, s10;
	v61 =	vor.u32 s9, v1;
	v3 =	vor.u32 v3, v18;
	[tilespmem:v14+s7+$0x0] =	vst.idx.msk vm0, v6  }
0x3b: {  	s29 =	sadd.s32 $0x50, s10;
	v62 =	vor.u32 s11, v1;
	[tilespmem:v16+s7+$0x0] =	vst.idx.msk vm2, v61  }
0x3c: {  	s30 =	sadd.s32 $0x60, s10;
	v63 =	vor.u32 s29, v1;
	[tilespmem:v12+s7+$0x0] =	vst.idx.msk vm4, v62  }
0x3d: {  	s31 =	sadd.s32 $0x70, s10;
	s8 =	sadd.s32 $0x1, s8;
	[tilespmem:v2+s7+$0x0] =	vst.idx.msk vm5, v63;
	v2 =	vor.u32 s30, v1  }
0x3e: {  	p0 =	sne.s32 s8, s5;
	[tilespmem:v4+s7+$0x0] =	vst.idx.msk vm14, v2;
	v2 =	vor.u32 s31, v1  }
.Ltmp1:
0x3f: {  	[tilespmem:v3+s7+$0x0] =	vst.idx.msk vm15, v2;
	(pc) =	sbr.rel @p0 .LBB2_1-.Ltmp1, $4  }
0x40: {  	[hbm4b:s4+s3] =	stream.linear.scatter [tilespmem:s7], [sflag:$0x1], $0x7A20, $0x38;
	[tilespmem:$0xBA20] =	vst v63  }
0x41: {  	_ =	swait.ge [sflag:s6], $0x7A20  }
0x42: {  	[sflag:s6] =	ssyncset.done $0x0  }
0x43: {  	[sflag:s6] =	ssyncadd.s32 $0xFFFF85E0  }
0x44: {  	_ =	sfence.sel $0x180000  }
0x45: {  	[bflag:$0x0] =	sbarrier.arrive $0xFFFF  }
0x46: {  	p0 =	sne.s32 s0, $0x0;
	_ =	strace $0x90000047  }
0x47: {  	s0 =	sadd.s32 @!p0 $0x100000, s1;
	[bflag:$0x2] =	sbarrier.arrive $0xFFFF  }
0x48: {  	[sflag:s0] =	ssyncadd.tile.s32 @!p0 $0x1;
	_ =	shalt  }
.Lfunc_end2:
_tile_overlayer_lowered:
.L_overlay_start_2:
0x49: {  	(tag) =	ssettag $0x2  }
0x4a: {  	s0 =	rddreg [dreg:$0x0];
	s2 =	stileid.u32  }
0x4b: {  	s1 =	rddreg [dreg:$0x1];
	p0 =	sne.s32 s2, $0x0  }
0x4c: {  	s3 =	rddreg [dreg:$0x2];
	[bflag:$0x3] =	sbarrier.arrive $0xFFFF;
	s2 =	simm.s32 @!p0 $0x1C01  }
0x4d: {  	[timem:s3], [sflag:s2] =	dma.local @!p0 [hbm:s0], s1  }
0x4e: {  	s0 =	simm.s32 @!p0 $0x1  }
0x4f: {  	_ =	swait.ge @!p0 [sflag:s0], s1  }
0x50: {  	s1 =	ssub.s32 @!p0 $0x0, s1;
	[sflag:s0] =	ssyncset.done @!p0 $0x0  }
0x51: {  	[sflag:s0] =	ssyncadd.s32 @!p0 s1  }
0x52: {  	[bflag:$0x3] =	sbarrier.arrive $0xFFFF  }
0x53: {  	_ =	shalt  }

// kernel: kernel.7.cloned.1.call-start
scs
__scs_entry_jumppad:
0x0: {  	(pc) =	sbr.rel $0x88, $3  }
0x1: {  	(tag) =	ssettag $0x0;
	lr =	simm.s32 $0x1  }
0x2: {  	[smem:$0x3F9F] =	sst lr;
	_ =	strace $0xD0000000  }
0x3: {  	_ = 	snop  }
0x4: {  	_ = 	snop  }
0x5: {  	_ = 	snop  }
0x6: {  	_ = 	snop  }
0x7: {  	_ = 	snop  }
__scs_overlays_trampoline_lowered:
0x8: {  	[smem:$0x3FAE] =	sst s0  }
0x9: {  	[smem:$0x3FAF] =	sst s1  }
0xa: {  	[smem:$0x3FB0] =	sst s2  }
0xb: {  	[smem:$0x3FB1] =	sst s3  }
0xc: {  	[smem:$0x3FB2] =	sst s4  }
0xd: {  	[smem:$0x3FB3] =	sst s5  }
0xe: {  	[smem:$0x3FB4] =	sst s6  }
0xf: {  	[smem:$0x3FB5] =	sst s7  }
0x10: {  	[smem:$0x3FB6] =	sst s8  }
0x11: {  	[smem:$0x3FB7] =	sst s9;
	s0 =	simm.s32 @!p0 $0x0  }
0x12: {  	s1 =	sld [smem:$0x3F9D];
	s0 =	simm.s32 @p0 $0x1  }
0x13: {  	[smem:$0x3FB8] =	sst s0;
	s0 =	simm.s32 @!p1 $0x0  }
0x14: {  	s2 =	sld [smem:$0x3F9C];
	s0 =	simm.s32 @p1 $0x1  }
0x15: {  	[smem:$0x3FB9] =	sst s0;
	s0 =	simm.s32 @!p2 $0x0  }
0x16: {  	s3 =	sld [smem:$0x3FDB];
	s0 =	simm.s32 @p2 $0x1  }
0x17: {  	s4 =	simm.s32 $0x1BF5;
	[smem:$0x3FBB] =	sst s0  }
0x18: {  	s0 =	sld [smem:$0x3F9E];
	_ =	swait.ge [sflag:s4], $0x0  }
0x19: {  	s7 =	sld [smem:$0x3F9F]  }
0x1a: {  	s8 =	sadd.s32 $0xFFFFE003, lr  }
0x1b: {  	s9 =	sadd.s32 $0xFFFFFEF7, lr;
	s5 =	simm.s32 $0xFFFFFFFF;
	p2 =	slt.u32 s8, $0xFFFFF086  }
0x1c: {  	p1 =	slt.u32 s9, $0xF7A;
	s5 =	simm.s32 @!p2 $0x0  }
0x1d: {  	s5 =	simm.s32 @p1 $0x1;
	p0 =	seq.s32 s7, s2  }
0x1e: {  	s7 =	smul.u32 @!p0 $0xF7A, s2;
	p2 =	seq.s32 @!p0 s5, $0x0  }
0x1f: {  	s9 =	smul.u32 $0xF7A, s1;
	s8 =	simm.s32 @!p0 $0x1BF5;
	p2 =	por !p2, p0  }
0x20: {  	[sflag:s8] =	ssyncset.s32 @!p0 $0xFFFFF086;
	s6 =	sadd.s32 @!p0 s3, s7;
	s7 =	simm.s32 @!p0 $0x108  }
0x21: {  	s3 =	sadd.s32 s3, s9;
	s6 =	sadd.s32 @!p0 $0x88, s6;
	s7 =	simm.s32 @p2 $0x1082  }
0x22: {  	[simem:s7], [sflag:s8] =	dma.local @!p0 [hbm:s6], $0xF7A  }
0x23: {  	s9 =	sor.u32 $0xD0000000, s2;
	s6 =	simm.s32 $0x108;
	_ =	swait.ge @!p0 [sflag:s8], $0x0  }
0x24: {  	s3 =	sadd.s32 $0x88, s3;
	s6 =	simm.s32 @!p1 $0x1082;
	[sflag:s4] =	ssyncset.s32 $0xFFFFF086  }
0x25: {  	[simem:s6], [sflag:s4] =	dma.local [hbm:s3], $0xF7A  }
0x26: {  	[smem:$0x3F9F] =	sst s1;
	(tag) =	ssettag s2;
	_ =	strace s9  }
0x27: {  	s1 =	sld [smem:$0x3FAF]  }
0x28: {  	s2 =	sld [smem:$0x3FB0]  }
0x29: {  	s4 =	sld [smem:$0x3FB2]  }
0x2a: {  	p0 =	seq.s32 s5, $0x0;
	s5 =	sld [smem:$0x3FB3]  }
0x2b: {  	s6 =	sld [smem:$0x3FB4]  }
0x2c: {  	s7 =	sld [smem:$0x3FB5]  }
0x2d: {  	s3 =	simm.s32 $0x108;
	s8 =	sld [smem:$0x3FB6]  }
0x2e: {  	s3 =	simm.s32 @!p0 $0x1082;
	s9 =	sld [smem:$0x3FB7]  }
0x2f: {  	lr =	sadd.s32 s0, s3;
	s0 =	sld [smem:$0x3FAE]  }
0x30: {  	s3 =	sld [smem:$0x3FB1]  }
0x31: {  	[smem:$0x3FBA] =	sst s10  }
0x32: {  	s10 =	sld [smem:$0x3FB8];
	_ =	sdelay $0x3  }
0x33: {  	p0 =	seq.s32 s10, $0x1;
	s10 =	sld [smem:$0x3FBA];
	_ =	sdelay $0x3  }
0x34: {  	[smem:$0x3FBA] =	sst s10  }
0x35: {  	s10 =	sld [smem:$0x3FB9];
	_ =	sdelay $0x3  }
0x36: {  	p1 =	seq.s32 s10, $0x1;
	s10 =	sld [smem:$0x3FBA];
	_ =	sdelay $0x3  }
0x37: {  	[smem:$0x3FBA] =	sst s10  }
0x38: {  	s10 =	sld [smem:$0x3FBB]  }
0x39: {  	_ = 	snop;
	(pc) =	sbr.ind lr, $3  }
0x3a: {  	_ = 	snop  }
0x3b: {  	_ = 	snop  }
0x3c: {  	p2 =	seq.s32 s10, $0x1;
	s10 =	sld [smem:$0x3FBA]  }
0x3d: {  	_ =	shalt  }
0x3e: {  	_ =	shalt  }
0x3f: {  	_ =	shalt  }
0x40: {  	_ =	shalt  }
0x41: {  	_ =	shalt  }
0x42: {  	_ =	shalt  }
0x43: {  	_ =	shalt  }
0x44: {  	_ =	shalt  }
0x45: {  	_ =	shalt  }
0x46: {  	_ =	shalt  }
0x47: {  	_ =	shalt  }
0x48: {  	_ =	shalt  }
0x49: {  	_ =	shalt  }
0x4a: {  	_ =	shalt  }
0x4b: {  	_ =	shalt  }
0x4c: {  	_ =	shalt  }
0x4d: {  	_ =	shalt  }
0x4e: {  	_ =	shalt  }
0x4f: {  	_ =	shalt  }
0x50: {  	_ =	shalt  }
0x51: {  	_ =	shalt  }
0x52: {  	_ =	shalt  }
0x53: {  	_ =	shalt  }
0x54: {  	_ =	shalt  }
0x55: {  	_ =	shalt  }
0x56: {  	_ =	shalt  }
0x57: {  	_ =	shalt  }
0x58: {  	_ =	shalt  }
0x59: {  	_ =	shalt  }
0x5a: {  	_ =	shalt  }
0x5b: {  	_ =	shalt  }
0x5c: {  	_ =	shalt  }
0x5d: {  	_ =	shalt  }
0x5e: {  	_ =	shalt  }
0x5f: {  	_ =	shalt  }
0x60: {  	_ =	shalt  }
0x61: {  	_ =	shalt  }
0x62: {  	_ =	shalt  }
0x63: {  	_ =	shalt  }
0x64: {  	_ =	shalt  }
0x65: {  	_ =	shalt  }
0x66: {  	_ =	shalt  }
0x67: {  	_ =	shalt  }
0x68: {  	_ =	shalt  }
0x69: {  	_ =	shalt  }
0x6a: {  	_ =	shalt  }
0x6b: {  	_ =	shalt  }
0x6c: {  	_ =	shalt  }
0x6d: {  	_ =	shalt  }
0x6e: {  	_ =	shalt  }
0x6f: {  	_ =	shalt  }
0x70: {  	_ =	shalt  }
0x71: {  	_ =	shalt  }
0x72: {  	_ =	shalt  }
0x73: {  	_ =	shalt  }
0x74: {  	_ =	shalt  }
0x75: {  	_ =	shalt  }
0x76: {  	_ =	shalt  }
0x77: {  	_ =	shalt  }
0x78: {  	_ =	shalt  }
0x79: {  	_ =	shalt  }
0x7a: {  	_ =	shalt  }
0x7b: {  	_ =	shalt  }
0x7c: {  	_ =	shalt  }
0x7d: {  	_ =	shalt  }
0x7e: {  	_ =	shalt  }
0x7f: {  	_ =	shalt  }
0x80: {  	_ =	shalt  }
0x81: {  	_ =	shalt  }
0x82: {  	_ =	shalt  }
0x83: {  	_ =	shalt  }
0x84: {  	_ =	shalt  }
0x85: {  	_ =	shalt  }
0x86: {  	_ =	shalt  }
0x87: {  	_ =	shalt  }
.Lfunc_end0:
.L_simem_size_0:
called_computation.1_lowered:
.L_overlay_start_0:
0x88: {  	s2 =	sld [smem:$0x3FD9]  }
0x89: {  	s3 =	sld [smem:$0x3FFE];
	_ =	sdelay $0x1  }
0x8a: {  	s1 =	srdreg.scid  }
0x8b: {  	s0 =	sand.u32 $0x1, s1  }
0x8c: {  	s17 =	sshll.u32 s0, $0xA;
	s2 =	sadd.s32 s3, s2  }
0x8d: {  	s2 =	sadd.s32 s2, s17  }
0x8e: {  	[smem:$0x3FC6] =	sst s2  }
0x8f: {  	_ = 	snop  }
0x90: {  	s2 =	sld [smem:$0x3FC9]  }
0x91: {  	s18 =	sld [smem:$0x3FD0];
	(tm) =	ssettm $0x1  }
0x92: {  	s4 =	sld [smem:$0x3FFB];
	_ =	sdelay $0x3  }
0x93: {  	_ =	strace s4  }
0x94: {  	s4 =	sld [smem:$0x3FFC];
	_ =	sdelay $0x3  }
0x95: {  	_ =	strace s4  }
0x96: {  	s4 =	sld [smem:$0x3FFD];
	_ =	sdelay $0x3  }
0x97: {  	_ =	strace s4  }
0x98: {  	_ =	strace $0x8FFFFFFF  }
0x99: {  	s19 =	sld [smem:$0x3FDB];
	_ =	sdelay $0x1  }
0x9a: {  	s5 =	simm.s32 $_scs_section_size  }
0x9b: {  	s6 =	simm.s32 $_size__tile_overlayer_lowered;
	s7 =	simm.s32 $_tile_overlayer_lowered  }
0x9c: {  	s22 =	simm.s32 $0x1BFF;
	s21 =	sshll.u32 s7, $0x1;
	s4 =	sadd.s32 s5, s19  }
0x9d: {  	s8 =	simm.s32 $0x0;
	s20 =	sshll.u32 s6, $0x1;
	s6 =	sadd.s32 s21, s4  }
0x9e: {  	[timem:s8], [sflag:s22] =	dma.local [hbm:s6], s20  }
0x9f: {  	_ =	swait.ge [sflag:s22], s20  }
0xa0: {  	s5 =	ssub.s32 $0x0, s20;
	[sflag:s22] =	ssyncset.done $0x0  }
0xa1: {  	[sflag:s22] =	ssyncadd.s32 s5;
	_ =	sdelay $0x1  }
0xa2: {  	s23 =	simm.s32 $0x1B8B  }
0xa3: {  	_ =	swait.ge [sflag:s23], $0x1  }
0xa4: {  	[sflag:s23] =	ssyncset.done $0x0  }
0xa5: {  	s25 =	simm.s32 $0x1B8E;
	s24 =	sld [smem:$0x3FFE];
	[sflag:s23] =	ssyncadd.s32 $0xFFFFFFFF  }
0xa6: {  	s26 =	simm.s32 $execute0_lowered;
	[smem:$0x3FD2] =	sst s25  }
0xa7: {  	s6 =	sshll.u32 s26, $0x1;
	_ =	strace $0x80000049;
	[dreg:$0x1] =	wrdreg $0xFFFFFFFF  }
0xa8: {  	s28 =	simm.s32 $_size_execute0_lowered;
	s4 =	sadd.s32 s4, s6;
	[dreg:$0x0] =	wrdreg $0x0  }
0xa9: {  	s6 =	sshll.u32 s28, $0x1;
	[dreg:$0x2] =	wrdreg s4  }
0xaa: {  	[dreg:$0x3] =	wrdreg s6  }
0xab: {  	[dreg:$0x4] =	wrdreg $0xC0  }
0xac: {  	_ =	task [dreg:s8], $0x5FFFF  }
0xad: {  	[dreg:$0x1] =	wrdreg $0xFFFFFFFF  }
0xae: {  	[dreg:$0x0] =	wrdreg $0x60  }
0xaf: {  	[dreg:$0x2] =	wrdreg s2  }
0xb0: {  	[dreg:$0x3] =	wrdreg s24  }
0xb1: {  	[dreg:$0x4] =	wrdreg s18  }
0xb2: {  	[dreg:$0x5] =	wrdreg $0x9  }
0xb3: {  	_ =	task.clear_ibuf [dreg:s8], $0x6FFFF;
	_ =	strace $0x90000049  }
0xb4: {  	s29 =	simm.s32 $0x9;
	_ =	strace $0x8000004B  }
0xb5: {  	_ =	swait.ge [sflag:s29], $0x1  }
0xb6: {  	[sflag:s29] =	ssyncadd.s32 $0xFFFFFFFF  }
0xb7: {  	_ =	strace $0x9000004B  }
0xb8: {  	_ =	sfence  }
0xb9: {  	s30 =	sld [smem:$0x0];
	_ =	sdelay $0x2  }
0xba: {  	s31 =	sshll.u32 s1, $0xD;
	s1 =	sshrl.u32 s1, $0x2  }
0xbb: {  	s3 =	sand.u32 $0x4000, s31;
	s1 =	sadd.s32 s1, s30  }
0xbc: {  	s0 =	sor.u32 s3, s0;
	s1 =	sshll.u32 s1, $0x11  }
0xbd: {  	s0 =	sor.u32 s1, s0  }
0xbe: {  	s0 =	sadd.s32 $0x8F2B, s0  }
0xbf: {  	[sflag:s0] =	ssyncadd.remote.s32 $0x1  }
0xc0: {  	_ =	sfence.sel $0xFFFF  }
0xc1: {  	[dreg:$0x0] =	wrdreg $0xFFFFFFFF;
	(pc) =	sbr.abs _section_cstart, $3  }
0xc2: {  	[dreg:$0x1] =	wrdreg $0xFFFFFFFF  }
0xc3: {  	_ =	task.clear_ibuf [dreg:s8], $0x2FFFF;
	_ =	strace $0x9FFFFFFF  }
0xc4: {  	(tm) =	ssettm $0x7FFFFFFF  }
0xc5: {  	_ =	shalt  }
tec
execute0_lowered:
.L_overlay_start_1:
0x0: {  	(tag) =	ssettag $0x1  }
0x1: {  	s5 =	rddreg [dreg:$0x0]  }
0x2: {  	s6 =	rddreg [dreg:$0x1]  }
0x3: {  	s2 =	rddreg [dreg:$0x2]  }
0x4: {  	s0 =	rddreg [dreg:$0x3]  }
0x5: {  	s4 =	srdreg.scid;
	s3 =	simm.s32 $0x0;
	s1 =	stileid.u32  }
0x6: {  	s10 =	simm.s32 $0x400;
	s11 =	simm.s32 $0x1;
	s12 =	simm.s32 $0x2400  }
0x7: {  	s13 =	simm.s32 $0x2600;
	s14 =	simm.s32 $0x2;
	s15 =	simm.s32 $0x0  }
0x8: {  	s7 =	sand.u32 $0x1, s4;
	[smem:$0x7FF] =	sst s3;
	s30 =	sshll.u32 s1, $0xA  }
0x9: {  	s4 =	sadd.s32 $0xA00, s6;
	s8 =	sshll.u32 s7, $0x9;
	s7 =	ssub.s32 $0x2, s7  }
0xa: {  	_ =	strace $0x8000004A;
	s8 =	sor.u32 s8, s30;
	s31 =	sshrl.u32 s7, $0x1  }
0xb: {  	s9 =	sshll.u32 s8, $0x3;
	s8 =	sshrl.u32 s8, $0x3;
	s7 =	ssub.s32 s7, s31  }
0xc: {  	v0 =	vlaneseq.u32;
	s6 =	sadd.s32 s9, s6;
	s5 =	sadd.s32 s5, s8;
	s7 =	smax.u32 s7, $0x1  }
0xd: {  	v0 =	vmul.u32 $0x10, v0;
	s8 =	simm.s32 $0x3;
	s9 =	simm.s32 $0x200;
	s6 =	sadd.s32 $0x1F400, s6  }
.LBB2_1:
0xe: {  	[tilespmem:s3], [sflag:$0x3] =	stream.linear.gather [hbm4b:s5+s3], $0x200, $0x38;
	[tilespmem:$0xA600] =	vst v63  }
0xf: {  	_ =	swait.ge [sflag:s8], $0x200  }
0x10: {  	[sflag:s8] =	ssyncset.done $0x0  }
0x11: {  	[sflag:s8] =	ssyncadd.s32 $0xFFFFFE00  }
0x12: {  	v1 =	vld [tilespmem:$0x0]  }
0x13: {  	v2 =	vld [tilespmem:$0x10]  }
0x14: {  	v3 =	vld [tilespmem:$0x20]  }
0x15: {  	v4 =	vld [tilespmem:$0x30]  }
0x16: {  	v5 =	vld [tilespmem:$0x40]  }
0x17: {  	v6 =	vld [tilespmem:$0x50];
	v1 =	vshra.s32 v1, $0x4  }
0x18: {  	[tilespmem:$0x200] =	vst v1;
	v1 =	vshra.s32 v2, $0x4;
	v2 =	vld [tilespmem:$0x60]  }
0x19: {  	[tilespmem:$0x210] =	vst v1;
	v1 =	vshra.s32 v3, $0x4;
	v3 =	vld [tilespmem:$0x70]  }
0x1a: {  	v49 =	vld [tilespmem:$0x80];
	[tilespmem:$0x220] =	vst v1;
	v1 =	vshra.s32 v4, $0x4  }
0x1b: {  	v50 =	vld [tilespmem:$0x90];
	[tilespmem:$0x230] =	vst v1;
	v1 =	vshra.s32 v5, $0x4  }
0x1c: {  	v51 =	vld [tilespmem:$0xA0];
	[tilespmem:$0x240] =	vst v1;
	v1 =	vshra.s32 v6, $0x4  }
0x1d: {  	[tilespmem:$0x250] =	vst v1;
	v1 =	vshra.s32 v2, $0x4;
	v2 =	vld [tilespmem:$0xB0]  }
0x1e: {  	[tilespmem:$0x260] =	vst v1;
	v1 =	vshra.s32 v3, $0x4;
	v3 =	vld [tilespmem:$0xC0]  }
0x1f: {  	v52 =	vld [tilespmem:$0xD0];
	[tilespmem:$0x270] =	vst v1;
	v1 =	vshra.s32 v49, $0x4  }
0x20: {  	v53 =	vld [tilespmem:$0xE0];
	[tilespmem:$0x280] =	vst v1;
	v1 =	vshra.s32 v50, $0x4  }
0x21: {  	v54 =	vld [tilespmem:$0xF0];
	[tilespmem:$0x290] =	vst v1;
	v1 =	vshra.s32 v51, $0x4  }
0x22: {  	[tilespmem:$0x2A0] =	vst v1;
	v1 =	vshra.s32 v2, $0x4;
	v2 =	vld [tilespmem:$0x100]  }
0x23: {  	[tilespmem:$0x2B0] =	vst v1;
	v1 =	vshra.s32 v3, $0x4;
	v3 =	vld [tilespmem:$0x110]  }
0x24: {  	v55 =	vld [tilespmem:$0x120];
	[tilespmem:$0x2C0] =	vst v1;
	v1 =	vshra.s32 v52, $0x4  }
0x25: {  	v56 =	vld [tilespmem:$0x130];
	[tilespmem:$0x2D0] =	vst v1;
	v1 =	vshra.s32 v53, $0x4  }
0x26: {  	v57 =	vld [tilespmem:$0x140];
	[tilespmem:$0x2E0] =	vst v1;
	v1 =	vshra.s32 v54, $0x4  }
0x27: {  	[tilespmem:$0x2F0] =	vst v1;
	v1 =	vshra.s32 v2, $0x4;
	v2 =	vld [tilespmem:$0x150]  }
0x28: {  	[tilespmem:$0x300] =	vst v1;
	v1 =	vshra.s32 v3, $0x4;
	v3 =	vld [tilespmem:$0x160]  }
0x29: {  	v58 =	vld [tilespmem:$0x170];
	[tilespmem:$0x310] =	vst v1;
	v1 =	vshra.s32 v55, $0x4  }
0x2a: {  	v59 =	vld [tilespmem:$0x180];
	[tilespmem:$0x320] =	vst v1;
	v1 =	vshra.s32 v56, $0x4  }
0x2b: {  	v60 =	vld [tilespmem:$0x190];
	[tilespmem:$0x330] =	vst v1;
	v1 =	vshra.s32 v57, $0x4  }
0x2c: {  	[tilespmem:$0x340] =	vst v1;
	v1 =	vshra.s32 v2, $0x4;
	v2 =	vld [tilespmem:$0x1A0]  }
0x2d: {  	[tilespmem:$0x350] =	vst v1;
	v1 =	vshra.s32 v3, $0x4;
	v3 =	vld [tilespmem:$0x1B0]  }
0x2e: {  	v61 =	vld [tilespmem:$0x1C0];
	[tilespmem:$0x360] =	vst v1;
	v1 =	vshra.s32 v58, $0x4  }
0x2f: {  	v62 =	vld [tilespmem:$0x1D0];
	[tilespmem:$0x370] =	vst v1;
	v1 =	vshra.s32 v59, $0x4  }
0x30: {  	v63 =	vld [tilespmem:$0x1E0];
	[tilespmem:$0x380] =	vst v1;
	v1 =	vshra.s32 v60, $0x4  }
0x31: {  	[tilespmem:$0x390] =	vst v1;
	v1 =	vshra.s32 v2, $0x4;
	v2 =	vld [tilespmem:$0x1F0]  }
0x32: {  	[tilespmem:$0x3A0] =	vst v1;
	v1 =	vshra.s32 v3, $0x4  }
0x33: {  	[tilespmem:$0x3B0] =	vst v1;
	v1 =	vshra.s32 v61, $0x4  }
0x34: {  	[tilespmem:$0x3C0] =	vst v1;
	v1 =	vshra.s32 v62, $0x4  }
0x35: {  	[tilespmem:$0x3D0] =	vst v1;
	v1 =	vshra.s32 v63, $0x4  }
0x36: {  	[tilespmem:$0x3E0] =	vst v1;
	v1 =	vshra.s32 v2, $0x4  }
0x37: {  	[tilespmem:$0x3F0] =	vst v1  }
0x38: {  	[tilespmem:s10], [sflag:$0x1] =	stream.indirect.gather [hbm4b:s4+s9], $0x10, s9, s9, $0xb8;
	[tilespmem:$0xA600] =	vst v63  }
0x39: {  	_ =	swait.ge [sflag:s11], $0x2000  }
0x3a: {  	s16 =	simm.s32 $0xFFFFFFF8;
	s17 =	simm.s32 $0x70;
	[sflag:s11] =	ssyncset.done $0x0  }
0x3b: {  	s18 =	simm.s32 $0x2440;
	s19 =	simm.s32 $0x40;
	[sflag:s11] =	ssyncadd.s32 $0xFFFFE000  }
.LBB2_2:
0x3c: {  	v1 =	vld [tilespmem:s19+$0xFFFFFFC0];
	_ =	sdelay $0x1  }
0x3d: {  	s20 =	sadd.s32 $0xFFFFFF90, s17  }
0x3e: {  	v2 =	vmov s20  }
0x3f: {  	v2 =	vshll.u32 v2, $0x4  }
0x40: {  	v2 =	vor.u32 v0, v2;
	v1 =	vand.u32 $0xF, v1  }
0x41: {  	v1 =	vor.u32 v2, v1;
	_ =	sdelay $0x4  }
0x42: {  	v1 =	vld.idx.msk [tilespmem:v1+s10+$0x0], $0xffff;
	_ =	sdelay $0x4  }
0x43: {  	[tilespmem:s18+$0xFFFFFFC0] =	vst v1  }
0x44: {  	v1 =	vld [tilespmem:s19+$0xFFFFFFD0];
	_ =	sdelay $0x1  }
0x45: {  	s25 =	sadd.s32 $0xFFFFFFA0, s17  }
0x46: {  	v2 =	vmov s25  }
0x47: {  	v2 =	vshll.u32 v2, $0x4  }
0x48: {  	v2 =	vor.u32 v0, v2;
	v1 =	vand.u32 $0xF, v1  }
0x49: {  	v1 =	vor.u32 v2, v1;
	_ =	sdelay $0x4  }
0x4a: {  	v1 =	vld.idx.msk [tilespmem:v1+s10+$0x0], $0xffff;
	_ =	sdelay $0x4  }
0x4b: {  	[tilespmem:s18+$0xFFFFFFD0] =	vst v1  }
0x4c: {  	v1 =	vld [tilespmem:s19+$0xFFFFFFE0];
	_ =	sdelay $0x1  }
0x4d: {  	s26 =	sadd.s32 $0xFFFFFFB0, s17  }
0x4e: {  	v2 =	vmov s26  }
0x4f: {  	v2 =	vshll.u32 v2, $0x4  }
0x50: {  	v2 =	vor.u32 v0, v2;
	v1 =	vand.u32 $0xF, v1  }
0x51: {  	v1 =	vor.u32 v2, v1;
	_ =	sdelay $0x4  }
0x52: {  	v1 =	vld.idx.msk [tilespmem:v1+s10+$0x0], $0xffff;
	_ =	sdelay $0x4  }
0x53: {  	[tilespmem:s18+$0xFFFFFFE0] =	vst v1  }
0x54: {  	v1 =	vld [tilespmem:s19+$0xFFFFFFF0];
	_ =	sdelay $0x1  }
0x55: {  	s28 =	sadd.s32 $0xFFFFFFC0, s17  }
0x56: {  	v2 =	vmov s28  }
0x57: {  	v2 =	vshll.u32 v2, $0x4  }
0x58: {  	v2 =	vor.u32 v0, v2;
	v1 =	vand.u32 $0xF, v1  }
0x59: {  	v1 =	vor.u32 v2, v1;
	_ =	sdelay $0x4  }
0x5a: {  	v1 =	vld.idx.msk [tilespmem:v1+s10+$0x0], $0xffff;
	_ =	sdelay $0x4  }
0x5b: {  	[tilespmem:s18+$0xFFFFFFF0] =	vst v1  }
0x5c: {  	v1 =	vld [tilespmem:s19+$0x0];
	_ =	sdelay $0x1  }
0x5d: {  	s29 =	sadd.s32 $0xFFFFFFD0, s17  }
0x5e: {  	v2 =	vmov s29  }
0x5f: {  	v2 =	vshll.u32 v2, $0x4  }
0x60: {  	v2 =	vor.u32 v0, v2;
	v1 =	vand.u32 $0xF, v1  }
0x61: {  	v1 =	vor.u32 v2, v1;
	_ =	sdelay $0x4  }
0x62: {  	v1 =	vld.idx.msk [tilespmem:v1+s10+$0x0], $0xffff;
	_ =	sdelay $0x4  }
0x63: {  	[tilespmem:s18+$0x0] =	vst v1  }
0x64: {  	v1 =	vld [tilespmem:s19+$0x10];
	_ =	sdelay $0x1  }
0x65: {  	s30 =	sadd.s32 $0xFFFFFFE0, s17  }
0x66: {  	v2 =	vmov s30  }
0x67: {  	v2 =	vshll.u32 v2, $0x4  }
0x68: {  	v2 =	vor.u32 v0, v2;
	v1 =	vand.u32 $0xF, v1  }
0x69: {  	v1 =	vor.u32 v2, v1;
	_ =	sdelay $0x4  }
0x6a: {  	v1 =	vld.idx.msk [tilespmem:v1+s10+$0x0], $0xffff;
	_ =	sdelay $0x4  }
0x6b: {  	[tilespmem:s18+$0x10] =	vst v1  }
0x6c: {  	v1 =	vld [tilespmem:s19+$0x20];
	_ =	sdelay $0x1  }
0x6d: {  	s31 =	sadd.s32 $0xFFFFFFF0, s17  }
0x6e: {  	v2 =	vmov s31  }
0x6f: {  	v2 =	vshll.u32 v2, $0x4  }
0x70: {  	v2 =	vor.u32 v0, v2;
	v1 =	vand.u32 $0xF, v1  }
0x71: {  	v1 =	vor.u32 v2, v1;
	_ =	sdelay $0x4  }
0x72: {  	v1 =	vld.idx.msk [tilespmem:v1+s10+$0x0], $0xffff;
	_ =	sdelay $0x4  }
0x73: {  	[tilespmem:s18+$0x20] =	vst v1  }
0x74: {  	v1 =	vld [tilespmem:s19+$0x30];
	_ =	sdelay $0x2  }
0x75: {  	v2 =	vmov s17  }
0x76: {  	v2 =	vshll.u32 v2, $0x4  }
0x77: {  	v2 =	vor.u32 v0, v2;
	v1 =	vand.u32 $0xF, v1  }
0x78: {  	v1 =	vor.u32 v2, v1;
	_ =	sdelay $0x3  }
0x79: {  	s16 =	sadd.s32 $0x8, s16  }
0x7a: {  	p0 =	slt.u32 s16, $0x18;
	v1 =	vld.idx.msk [tilespmem:v1+s10+$0x0], $0xffff  }
.Ltmp0:
0x7b: {  	_ = 	snop;
	(pc) =	sbr.rel @p0 .LBB2_2-.Ltmp0, $2  }
0x7c: {  	_ =	sdelay $0x2  }
0x7d: {  	s17 =	sadd.s32 $0x80, s17;
	s19 =	sadd.s32 $0x80, s19;
	[tilespmem:s18+$0x30] =	vst v1;
	s18 =	sadd.s32 $0x80, s18  }
0x7e: {  	[tilespmem:s13], [sflag:$0x2] =	stream.indirect.gather [hbm4b:s2+s9], $0x40, s12, s9, $0xb8;
	[tilespmem:$0xA600] =	vst v63  }
0x7f: {  	s15 =	sadd.s32 $0x1, s15;
	_ =	swait.ge [sflag:s14], $0x8000  }
0x80: {  	p0 =	sne.s32 s15, s7;
	[sflag:s14] =	ssyncset.done $0x0  }
.Ltmp1:
0x81: {  	[sflag:s14] =	ssyncadd.s32 $0xFFFF8000;
	(pc) =	sbr.rel @p0 .LBB2_1-.Ltmp1, $4  }
0x82: {  	[hbm4b:s6+s3] =	stream.linear.scatter [tilespmem:s13], [sflag:$0x3], $0x8000, $0x38;
	[tilespmem:$0xA600] =	vst v63  }
0x83: {  	_ =	swait.ge [sflag:s8], $0x8000  }
0x84: {  	[sflag:s8] =	ssyncset.done $0x0  }
0x85: {  	[sflag:s8] =	ssyncadd.s32 $0xFFFF8000  }
0x86: {  	_ =	sfence.sel $0x180000  }
0x87: {  	[bflag:$0x0] =	sbarrier.arrive $0xFFFF  }
0x88: {  	p0 =	sne.s32 s1, $0x0;
	_ =	strace $0x9000004A  }
0x89: {  	s0 =	sadd.s32 @!p0 $0x100000, s0;
	[bflag:$0x2] =	sbarrier.arrive $0xFFFF  }
0x8a: {  	[sflag:s0] =	ssyncadd.tile.s32 @!p0 $0x1;
	_ =	shalt  }
.Lfunc_end2:
_tile_overlayer_lowered:
.L_overlay_start_2:
0x8b: {  	(tag) =	ssettag $0x2  }
0x8c: {  	s0 =	rddreg [dreg:$0x0];
	s2 =	stileid.u32  }
0x8d: {  	s1 =	rddreg [dreg:$0x1];
	p0 =	sne.s32 s2, $0x0  }
0x8e: {  	s3 =	rddreg [dreg:$0x2];
	[bflag:$0x3] =	sbarrier.arrive $0xFFFF;
	s2 =	simm.s32 @!p0 $0x1C03  }
0x8f: {  	[timem:s3], [sflag:s2] =	dma.local @!p0 [hbm:s0], s1  }
0x90: {  	s0 =	simm.s32 @!p0 $0x3  }
0x91: {  	_ =	swait.ge @!p0 [sflag:s0], s1  }
0x92: {  	s1 =	ssub.s32 @!p0 $0x0, s1;
	[sflag:s0] =	ssyncset.done @!p0 $0x0  }
0x93: {  	[sflag:s0] =	ssyncadd.s32 @!p0 s1  }
0x94: {  	[bflag:$0x3] =	sbarrier.arrive $0xFFFF  }
0x95: {  	_ =	shalt  }

</sc_bundles>
